<compile_context>
chip_gen: v7x
topology: tpu7x:2x2x1
jax: 0.10.2.dev20260603
libtpu: 0.0.44.dev20260713+nightly
codegen_flags: <defaults>
</compile_context>

<pallas_src>
import functools

import jax
import jax.numpy as jnp
from jax import lax
from jax.experimental import pallas as pl
from jax.experimental.pallas import tpu as pltpu
from jax.experimental.pallas import tpu_sc as plsc

F, B, L = 26, 4096, 20
V, D = 100000, 32

NW = 32
BPW = B // NW
NB = 32
NSUB = BPW // NB
ROWS = NB * L
FH = F // 2
NCH = NSUB * FH


def _sc_body(ids_hbm, tab_hbm, out_hbm, idx0, idx1, rows0, rows1, out_v,
             sem_g0, sem_g1, sem_ids):
    cid = lax.axis_index("c")
    sid = lax.axis_index("s")
    wid = sid * 2 + cid

    idx = (idx0, idx1)
    rows = (rows0, rows1)
    semg = (sem_g0, sem_g1)

    def id_offset(c):
        f = c % FH
        sub = c // FH
        return f * (B * L) + wid * (BPW * L) + sub * (NB * L)

    def start_ids(c, p):
        pltpu.async_copy(ids_hbm.at[pl.ds(id_offset(c), ROWS)], idx[p],
                         sem_ids)

    def wait_ids(p):
        pltpu.make_async_copy(ids_hbm.at[pl.ds(0, ROWS)], idx[p],
                              sem_ids).wait()

    def fire_gather(c, p):
        f = c % FH
        pltpu.async_copy(tab_hbm.at[f].at[idx[p]], rows[p], semg[p])

    def drain_gather(c, p):
        f = c % FH
        pltpu.make_async_copy(tab_hbm.at[f].at[idx[p]], rows[p],
                              semg[p]).wait()

    def compute(c, p):
        f = c % FH
        sub = c // FH
        rp = rows[p]

        def bag(b, carry):
            base = b * L
            a0 = rp[base, pl.ds(0, 16)]
            a1 = rp[base, pl.ds(16, 16)]
            for l in range(1, L):
                a0 = a0 + rp[base + l, pl.ds(0, 16)]
                a1 = a1 + rp[base + l, pl.ds(16, 16)]
            out_v[b, pl.ds(f * D, 16)] = a0
            out_v[b, pl.ds(f * D + 16, 16)] = a1
            return carry

        lax.fori_loop(0, NB, bag, 0)

        @pl.when(f == FH - 1)
        def _():
            b0 = wid * BPW + sub * NB
            pltpu.sync_copy(out_v, out_hbm.at[pl.ds(b0, NB)])

    pltpu.sync_copy(ids_hbm.at[pl.ds(id_offset(0), ROWS)], idx[0])
    fire_gather(0, 0)
    start_ids(1, 1)

    def pair_body(i, carry):
        for p in (0, 1):
            c = i * 2 + p
            q = 1 - p

            @pl.when(c + 1 < NCH)
            def _():
                wait_ids(q)
                fire_gather(c + 1, q)

            drain_gather(c, p)

            @pl.when(c + 2 < NCH)
            def _():
                start_ids(c + 2, p)

            compute(c, p)
        return carry

    lax.fori_loop(0, NCH // 2, pair_body, 0)


@jax.jit
def _ebc_lookup(ids1d, table):
    mesh = plsc.VectorSubcoreMesh(core_axis_name="c", subcore_axis_name="s")
    run = pl.kernel(
        _sc_body,
        out_type=jax.ShapeDtypeStruct((B, FH * D), jnp.float32),
        mesh=mesh,
        scratch_types=[
            pltpu.VMEM((ROWS,), jnp.int32),
            pltpu.VMEM((ROWS,), jnp.int32),
            pltpu.VMEM((ROWS, D), jnp.float32),
            pltpu.VMEM((ROWS, D), jnp.float32),
            pltpu.VMEM((NB, FH * D), jnp.float32),
            pltpu.SemaphoreType.DMA,
            pltpu.SemaphoreType.DMA,
            pltpu.SemaphoreType.DMA,
        ],
        compiler_params=pltpu.CompilerParams(use_tc_tiling_on_sc=False),
    )
    return run(ids1d, table)


def kernel(values, table0, table1):
    ids1d = values.astype(jnp.int32).reshape(-1)
    ha = ids1d[:FH * B * L]
    hb = ids1d[FH * B * L:]
    o0a = _ebc_lookup(ha, table0[:FH])
    o0b = _ebc_lookup(hb, table0[FH:])
    o1a = _ebc_lookup(ha, table1[:FH])
    o1b = _ebc_lookup(hb, table1[FH:])
    out0 = jnp.concatenate([o0a, o0b], axis=1)
    out1 = jnp.concatenate([o1a, o1b], axis=1)
    return (out0, out1)

# --- scband reference (transcript-rebuilt; emitter-appended) ---
"""Pipeline reference for scband-compound-module-4922032521716 (READ-ONLY COPY).

The authoritative reference and input builder live on the scoring server;
editing this copy changes nothing except your own understanding.
"""

import jax, jax.numpy as jnp
import numpy as np

F, B, L = 26, 4096, 20   # n_sparse_fields, batch, pooling length per feature
V, D = 100000, 32        # num_embeddings per table, embedding_dim


def setup_inputs(seed: int = 0) -> dict:
    key = jax.random.key(seed)
    k1, k2, k3 = jax.random.split(key, 3)
    # KeyedJaggedTensor approximated with a fixed length L per (feature, sample):
    # values[f, b, :] are the ids for feature f of sample b.
    values = jax.random.randint(k1, (F, B, L), 0, V)
    # Two EmbeddingBagCollections: the top-level `ebc` and one EBC in `mlist`.
    # Each EBC holds F tables of shape [V, D]; stacked as [F, V, D].
    table0 = jax.random.normal(k2, (F, V, D), dtype=jnp.float32) * 0.01
    table1 = jax.random.normal(k3, (F, V, D), dtype=jnp.float32) * 0.01
    return {"values": values, "table0": table0, "table1": table1}


def _ebc_forward(table, values):
    # EmbeddingBagCollection with SUM pooling, followed by KeyedTensor.values()
    # which concatenates per-feature pooled embeddings -> [B, F*D].
    offsets = (jnp.arange(F) * V)[:, None, None]
    flat_ids = (values + offsets).reshape(-1)
    gathered = jnp.take(table.reshape(F * V, D), flat_ids, axis=0)
    emb = gathered.reshape(F, B, L, D)
    pooled = emb.sum(axis=2)                      # [F, B, D]  (SUM pooling over bag)
    return jnp.transpose(pooled, (1, 0, 2)).reshape(B, F * D)


def reference(values, table0, table1):
    # CompoundModule.forward: comp is None -> res = []
    res = []
    # res.append(self.ebc(features).values())
    res.append(_ebc_forward(table0, values))
    # for m in self.list: (one EBC) res.append(m(features).values())
    res.append(_ebc_forward(table1, values))
    return tuple(res)

if __name__ == "__main__":
    import jax
    _d = setup_inputs()
    print(jax.jit(kernel)(*tuple(_d.values())))

</pallas_src>

<mosaic_0001>
#map = affine_map<(d0, d1) -> (0)>
#map1 = affine_map<(d0, d1) -> (0, 0, 0)>
#map2 = affine_map<(d0, d1) -> (0, 0)>
module attributes {stable_mosaic.version = 14 : i64} {
  func.func @_sc_body(%arg0: i32, %arg1: i32, %arg2: memref<1064960xi32, #tpu.memory_space<hbm>>, %arg3: memref<13x100000x32xf32, #tpu.memory_space<hbm>>, %arg4: memref<4096x416xf32, #tpu.memory_space<hbm>>, %arg5: memref<640xi32, #tpu.memory_space<vmem>>, %arg6: memref<640xi32, #tpu.memory_space<vmem>>, %arg7: memref<640x32xf32, #tpu.memory_space<vmem>>, %arg8: memref<640x32xf32, #tpu.memory_space<vmem>>, %arg9: memref<32x416xf32, #tpu.memory_space<vmem>>, %arg10: memref<!tpu.dma_semaphore, #tpu.memory_space<semaphore_mem>>, %arg11: memref<!tpu.dma_semaphore, #tpu.memory_space<semaphore_mem>>, %arg12: memref<!tpu.dma_semaphore, #tpu.memory_space<semaphore_mem>>) attributes {dimension_semantics = [#tpu.dimension_semantics<core_parallel>, #tpu.dimension_semantics<subcore_parallel>], iteration_bounds = array<i64: 2, 16>, scalar_prefetch = 0 : i64, scratch_operands = 8 : i64, tpu.core_type = #tpu.core_type<sc_vector_subcore>, window_params = [{transform_indices = #map}, {transform_indices = #map1}, {transform_indices = #map2}]} {
    %mul3A = arith.constant 2 : i32
    %mul3A_0 = arith.muli %arg1, %mul3A : i32
    %add3A = arith.addi %mul3A_0, %arg0 : i32
    %mul3A_1 = arith.constant 2560 : i32
    %mul3A_2 = arith.muli %add3A, %mul3A_1 : i32
    %add3A_3 = arith.constant 0 : i32
    %add3A_4 = arith.addi %add3A_3, %mul3A_2 : i32
    %add3A_5 = arith.constant 0 : i32
    %add3A_6 = arith.addi %add3A_4, %add3A_5 : i32
    "tpu.region"() ({
      %run_scoped3A = tpu.sem_alloc : memref<!tpu.dma_semaphore, #tpu.memory_space<semaphore_mem>>
      %dma_start3A_27 = tpu.memref_slice %arg2[%add3A_6] : memref<1064960xi32, #tpu.memory_space<hbm>> -> memref<640xi32, #tpu.memory_space<hbm>>
      %dma_start3A_28 = tpu.memref_slice %arg2[%add3A_6] : memref<1064960xi32, #tpu.memory_space<hbm>> -> memref<640xi32, #tpu.memory_space<hbm>>
      tpu.enqueue_dma source(%dma_start3A_28 : memref<640xi32, #tpu.memory_space<hbm>>) target(%arg5 : memref<640xi32, #tpu.memory_space<vmem>>) target_semaphore(%run_scoped3A : memref<!tpu.dma_semaphore, #tpu.memory_space<semaphore_mem>>)
      %dma_wait3A = tpu.memref_slice %arg2[%add3A_6] : memref<1064960xi32, #tpu.memory_space<hbm>> -> memref<640xi32, #tpu.memory_space<hbm>>
      %dma_wait3A_29 = tpu.memref_slice %arg2[%add3A_6] : memref<1064960xi32, #tpu.memory_space<hbm>> -> memref<640xi32, #tpu.memory_space<hbm>>
      tpu.wait_dma2 semaphore(%run_scoped3A : memref<!tpu.dma_semaphore, #tpu.memory_space<semaphore_mem>>) src(%dma_wait3A_29 : memref<640xi32, #tpu.memory_space<hbm>>) dst(%arg5 : memref<640xi32, #tpu.memory_space<vmem>>)
      tpu.yield
    }) : () -> ()
    %dma_start3A = arith.constant 0 : i32
    %dma_start3A_7 = arith.constant 0 : i32
    %dma_start3A_8 = arith.constant 0 : i32
    %dma_start3A_9 = tpu.memref_slice %arg3[%dma_start3A, %dma_start3A_7, %dma_start3A_8] : memref<13x100000x32xf32, #tpu.memory_space<hbm>> -> memref<1x100000x32xf32, #tpu.memory_space<hbm>>
    %dma_start3A_10 = tpu.memref_squeeze %dma_start3A_9 : memref<1x100000x32xf32, #tpu.memory_space<hbm>> -> memref<100000x32xf32, #tpu.memory_space<hbm>>
    %dma_start3A_11 = arith.constant 0 : i32
    %dma_start3A_12 = arith.constant 0 : i32
    %dma_start3A_13 = tpu.memref_slice %dma_start3A_10[%dma_start3A_11, %dma_start3A_12] : memref<100000x32xf32, #tpu.memory_space<hbm>> -> memref<100000x32xf32, #tpu.memory_space<hbm>>
    tpu.enqueue_indirect_dma source(%dma_start3A_13 : memref<100000x32xf32, #tpu.memory_space<hbm>>) target(%arg7 : memref<640x32xf32, #tpu.memory_space<vmem>>) offsets(%arg5 : memref<640xi32, #tpu.memory_space<vmem>>) semaphore(%arg10 : memref<!tpu.dma_semaphore, #tpu.memory_space<semaphore_mem>>)
    %mul3A_14 = arith.constant 2560 : i32
    %mul3A_15 = arith.muli %add3A, %mul3A_14 : i32
    %add3A_16 = arith.constant 81920 : i32
    %add3A_17 = arith.addi %add3A_16, %mul3A_15 : i32
    %add3A_18 = arith.constant 0 : i32
    %add3A_19 = arith.addi %add3A_17, %add3A_18 : i32
    %dma_start3A_20 = tpu.memref_slice %arg2[%add3A_19] : memref<1064960xi32, #tpu.memory_space<hbm>> -> memref<640xi32, #tpu.memory_space<hbm>>
    %dma_start3A_21 = tpu.memref_slice %arg2[%add3A_19] : memref<1064960xi32, #tpu.memory_space<hbm>> -> memref<640xi32, #tpu.memory_space<hbm>>
    tpu.enqueue_dma source(%dma_start3A_21 : memref<640xi32, #tpu.memory_space<hbm>>) target(%arg6 : memref<640xi32, #tpu.memory_space<vmem>>) target_semaphore(%arg12 : memref<!tpu.dma_semaphore, #tpu.memory_space<semaphore_mem>>)
    %scan3A = arith.constant 0 : i32
    %scan3A_22 = arith.constant 0 : i32
    %scan3A_23 = arith.constant 26 : i32
    %scan3A_24 = arith.addi %scan3A_22, %scan3A_23 : i32
    %scan3A_25 = arith.constant 1 : i32
    scf.for %scan3A_27 = %scan3A_22 to %scan3A_24 step %scan3A_25  : i32 {
      %mul3A_28 = arith.constant 2 : i32
      %mul3A_29 = arith.muli %scan3A_27, %mul3A_28 : i32
      %add3A_30 = arith.constant 0 : i32
      %add3A_31 = arith.addi %mul3A_29, %add3A_30 : i32
      %add3A_32 = arith.constant 1 : i32
      %add3A_33 = arith.addi %add3A_31, %add3A_32 : i32
      %lt3A = arith.constant 52 : i32
      %lt3A_34 = arith.cmpi slt, %add3A_33, %lt3A : i32
      %convert_element_type3A = arith.extui %lt3A_34 : i1 to i32
      %cond3A = arith.constant 0 : i32
      %cond3A_35 = arith.cmpi ne, %convert_element_type3A, %cond3A : i32
      scf.if %cond3A_35 {
        %dma_wait3A_199 = arith.constant 0 : i32
        %dma_wait3A_200 = tpu.memref_slice %arg2[%dma_wait3A_199] : memref<1064960xi32, #tpu.memory_space<hbm>> -> memref<640xi32, #tpu.memory_space<hbm>>
        %dma_wait3A_201 = arith.constant 0 : i32
        %dma_wait3A_202 = tpu.memref_slice %arg2[%dma_wait3A_201] : memref<1064960xi32, #tpu.memory_space<hbm>> -> memref<640xi32, #tpu.memory_space<hbm>>
        tpu.wait_dma2 semaphore(%arg12 : memref<!tpu.dma_semaphore, #tpu.memory_space<semaphore_mem>>) src(%dma_wait3A_202 : memref<640xi32, #tpu.memory_space<hbm>>) dst(%arg6 : memref<640xi32, #tpu.memory_space<vmem>>)
        %add3A_203 = arith.constant 1 : i32
        %add3A_204 = arith.addi %add3A_31, %add3A_203 : i32
        %jit3A_205 = arith.constant 13 : i32
        %eq3A_206 = arith.constant 0 : i32
        %eq3A_207 = arith.cmpi eq, %jit3A_205, %eq3A_206 : i32
        %jit3A_208 = arith.constant 1 : i32
        %select_n3A_209 = arith.select %eq3A_207, %jit3A_208, %jit3A_205 : i32
        %rem3A_210 = arith.remsi %add3A_204, %select_n3A_209 : i32
        %ne3A_211 = arith.constant 0 : i32
        %ne3A_212 = arith.cmpi ne, %rem3A_210, %ne3A_211 : i32
        %lt3A_213 = arith.constant 0 : i32
        %lt3A_214 = arith.cmpi slt, %rem3A_210, %lt3A_213 : i32
        %lt3A_215 = arith.constant 0 : i32
        %lt3A_216 = arith.cmpi slt, %select_n3A_209, %lt3A_215 : i32
        %ne3A_217 = arith.xori %lt3A_214, %lt3A_216 : i1
        %and3A_218 = arith.andi %ne3A_217, %ne3A_212 : i1
        %add3A_219 = arith.addi %rem3A_210, %select_n3A_209 : i32
        %select_n3A_220 = arith.select %and3A_218, %add3A_219, %rem3A_210 : i32
        %dma_start3A_221 = arith.constant 0 : i32
        %dma_start3A_222 = arith.constant 0 : i32
        %dma_start3A_223 = tpu.memref_slice %arg3[%select_n3A_220, %dma_start3A_221, %dma_start3A_222] : memref<13x100000x32xf32, #tpu.memory_space<hbm>> -> memref<1x100000x32xf32, #tpu.memory_space<hbm>>
        %dma_start3A_224 = tpu.memref_squeeze %dma_start3A_223 : memref<1x100000x32xf32, #tpu.memory_space<hbm>> -> memref<100000x32xf32, #tpu.memory_space<hbm>>
        %dma_start3A_225 = arith.constant 0 : i32
        %dma_start3A_226 = arith.constant 0 : i32
        %dma_start3A_227 = tpu.memref_slice %dma_start3A_224[%dma_start3A_225, %dma_start3A_226] : memref<100000x32xf32, #tpu.memory_space<hbm>> -> memref<100000x32xf32, #tpu.memory_space<hbm>>
        tpu.enqueue_indirect_dma source(%dma_start3A_227 : memref<100000x32xf32, #tpu.memory_space<hbm>>) target(%arg8 : memref<640x32xf32, #tpu.memory_space<vmem>>) offsets(%arg6 : memref<640xi32, #tpu.memory_space<vmem>>) semaphore(%arg11 : memref<!tpu.dma_semaphore, #tpu.memory_space<semaphore_mem>>)
      } else {
      }
      %jit3A = arith.constant 13 : i32
      %eq3A = arith.constant 0 : i32
      %eq3A_36 = arith.cmpi eq, %jit3A, %eq3A : i32
      %jit3A_37 = arith.constant 1 : i32
      %select_n3A = arith.select %eq3A_36, %jit3A_37, %jit3A : i32
      %rem3A = arith.remsi %add3A_31, %select_n3A : i32
      %ne3A = arith.constant 0 : i32
      %ne3A_38 = arith.cmpi ne, %rem3A, %ne3A : i32
      %lt3A_39 = arith.constant 0 : i32
      %lt3A_40 = arith.cmpi slt, %rem3A, %lt3A_39 : i32
      %lt3A_41 = arith.constant 0 : i32
      %lt3A_42 = arith.cmpi slt, %select_n3A, %lt3A_41 : i32
      %ne3A_43 = arith.xori %lt3A_40, %lt3A_42 : i1
      %and3A = arith.andi %ne3A_43, %ne3A_38 : i1
      %add3A_44 = arith.addi %rem3A, %select_n3A : i32
      %select_n3A_45 = arith.select %and3A, %add3A_44, %rem3A : i32
      %dma_wait3A = arith.constant 0 : i32
      %dma_wait3A_46 = arith.constant 0 : i32
      %dma_wait3A_47 = tpu.memref_slice %arg3[%select_n3A_45, %dma_wait3A, %dma_wait3A_46] : memref<13x100000x32xf32, #tpu.memory_space<hbm>> -> memref<1x100000x32xf32, #tpu.memory_space<hbm>>
      %dma_wait3A_48 = tpu.memref_squeeze %dma_wait3A_47 : memref<1x100000x32xf32, #tpu.memory_space<hbm>> -> memref<100000x32xf32, #tpu.memory_space<hbm>>
      %dma_wait3A_49 = arith.constant 0 : i32
      %dma_wait3A_50 = arith.constant 0 : i32
      %dma_wait3A_51 = tpu.memref_slice %dma_wait3A_48[%dma_wait3A_49, %dma_wait3A_50] : memref<100000x32xf32, #tpu.memory_space<hbm>> -> memref<100000x32xf32, #tpu.memory_space<hbm>>
      tpu.wait_indirect_dma semaphore(%arg10 : memref<!tpu.dma_semaphore, #tpu.memory_space<semaphore_mem>>) src(%dma_wait3A_51 : memref<100000x32xf32, #tpu.memory_space<hbm>>) dst(%arg7 : memref<640x32xf32, #tpu.memory_space<vmem>>)
      %add3A_52 = arith.constant 2 : i32
      %add3A_53 = arith.addi %add3A_31, %add3A_52 : i32
      %lt3A_54 = arith.constant 52 : i32
      %lt3A_55 = arith.cmpi slt, %add3A_53, %lt3A_54 : i32
      %convert_element_type3A_56 = arith.extui %lt3A_55 : i1 to i32
      %cond3A_57 = arith.constant 0 : i32
      %cond3A_58 = arith.cmpi ne, %convert_element_type3A_56, %cond3A_57 : i32
      scf.if %cond3A_58 {
        %add3A_199 = arith.constant 2 : i32
        %add3A_200 = arith.addi %add3A_31, %add3A_199 : i32
        %jit3A_201 = arith.constant 13 : i32
        %eq3A_202 = arith.constant 0 : i32
        %eq3A_203 = arith.cmpi eq, %jit3A_201, %eq3A_202 : i32
        %jit3A_204 = arith.constant 1 : i32
        %select_n3A_205 = arith.select %eq3A_203, %jit3A_204, %jit3A_201 : i32
        %rem3A_206 = arith.remsi %add3A_200, %select_n3A_205 : i32
        %ne3A_207 = arith.constant 0 : i32
        %ne3A_208 = arith.cmpi ne, %rem3A_206, %ne3A_207 : i32
        %lt3A_209 = arith.constant 0 : i32
        %lt3A_210 = arith.cmpi slt, %rem3A_206, %lt3A_209 : i32
        %lt3A_211 = arith.constant 0 : i32
        %lt3A_212 = arith.cmpi slt, %select_n3A_205, %lt3A_211 : i32
        %ne3A_213 = arith.xori %lt3A_210, %lt3A_212 : i1
        %and3A_214 = arith.andi %ne3A_213, %ne3A_208 : i1
        %add3A_215 = arith.addi %rem3A_206, %select_n3A_205 : i32
        %select_n3A_216 = arith.select %and3A_214, %add3A_215, %rem3A_206 : i32
        %jit3A_217 = arith.constant 13 : i32
        %div3A_218 = arith.divsi %add3A_200, %jit3A_217 : i32
        %sign3A_219 = arith.constant 0 : i32
        %sign3A_220 = arith.cmpi sgt, %add3A_200, %sign3A_219 : i32
        %sign3A_221 = arith.extui %sign3A_220 : i1 to i32
        %sign3A_222 = arith.constant 0 : i32
        %sign3A_223 = arith.cmpi slt, %add3A_200, %sign3A_222 : i32
        %sign3A_224 = arith.extui %sign3A_223 : i1 to i32
        %sign3A_225 = arith.subi %sign3A_221, %sign3A_224 : i32
        %sign3A_226 = arith.constant 0 : i32
        %sign3A_227 = arith.cmpi sgt, %jit3A_217, %sign3A_226 : i32
        %sign3A_228 = arith.extui %sign3A_227 : i1 to i32
        %sign3A_229 = arith.constant 0 : i32
        %sign3A_230 = arith.cmpi slt, %jit3A_217, %sign3A_229 : i32
        %sign3A_231 = arith.extui %sign3A_230 : i1 to i32
        %sign3A_232 = arith.subi %sign3A_228, %sign3A_231 : i32
        %ne3A_233 = arith.cmpi ne, %sign3A_225, %sign3A_232 : i32
        %rem3A_234 = arith.remsi %add3A_200, %jit3A_217 : i32
        %ne3A_235 = arith.constant 0 : i32
        %ne3A_236 = arith.cmpi ne, %rem3A_234, %ne3A_235 : i32
        %and3A_237 = arith.andi %ne3A_233, %ne3A_236 : i1
        %sub3A_238 = arith.constant 1 : i32
        %sub3A_239 = arith.subi %div3A_218, %sub3A_238 : i32
        %select_n3A_240 = arith.select %and3A_237, %sub3A_239, %div3A_218 : i32
        %mul3A_241 = arith.constant 81920 : i32
        %mul3A_242 = arith.muli %select_n3A_216, %mul3A_241 : i32
        %mul3A_243 = arith.constant 2560 : i32
        %mul3A_244 = arith.muli %add3A, %mul3A_243 : i32
        %add3A_245 = arith.addi %mul3A_242, %mul3A_244 : i32
        %mul3A_246 = arith.constant 640 : i32
        %mul3A_247 = arith.muli %select_n3A_240, %mul3A_246 : i32
        %add3A_248 = arith.addi %add3A_245, %mul3A_247 : i32
        %dma_start3A_249 = tpu.memref_slice %arg2[%add3A_248] : memref<1064960xi32, #tpu.memory_space<hbm>> -> memref<640xi32, #tpu.memory_space<hbm>>
        %dma_start3A_250 = tpu.memref_slice %arg2[%add3A_248] : memref<1064960xi32, #tpu.memory_space<hbm>> -> memref<640xi32, #tpu.memory_space<hbm>>
        tpu.enqueue_dma source(%dma_start3A_250 : memref<640xi32, #tpu.memory_space<hbm>>) target(%arg5 : memref<640xi32, #tpu.memory_space<vmem>>) target_semaphore(%arg12 : memref<!tpu.dma_semaphore, #tpu.memory_space<semaphore_mem>>)
      } else {
      }
      %jit3A_59 = arith.constant 13 : i32
      %eq3A_60 = arith.constant 0 : i32
      %eq3A_61 = arith.cmpi eq, %jit3A_59, %eq3A_60 : i32
      %jit3A_62 = arith.constant 1 : i32
      %select_n3A_63 = arith.select %eq3A_61, %jit3A_62, %jit3A_59 : i32
      %rem3A_64 = arith.remsi %add3A_31, %select_n3A_63 : i32
      %ne3A_65 = arith.constant 0 : i32
      %ne3A_66 = arith.cmpi ne, %rem3A_64, %ne3A_65 : i32
      %lt3A_67 = arith.constant 0 : i32
      %lt3A_68 = arith.cmpi slt, %rem3A_64, %lt3A_67 : i32
      %lt3A_69 = arith.constant 0 : i32
      %lt3A_70 = arith.cmpi slt, %select_n3A_63, %lt3A_69 : i32
      %ne3A_71 = arith.xori %lt3A_68, %lt3A_70 : i1
      %and3A_72 = arith.andi %ne3A_71, %ne3A_66 : i1
      %add3A_73 = arith.addi %rem3A_64, %select_n3A_63 : i32
      %select_n3A_74 = arith.select %and3A_72, %add3A_73, %rem3A_64 : i32
      %jit3A_75 = arith.constant 13 : i32
      %div3A = arith.divsi %add3A_31, %jit3A_75 : i32
      %sign3A = arith.constant 0 : i32
      %sign3A_76 = arith.cmpi sgt, %add3A_31, %sign3A : i32
      %sign3A_77 = arith.extui %sign3A_76 : i1 to i32
      %sign3A_78 = arith.constant 0 : i32
      %sign3A_79 = arith.cmpi slt, %add3A_31, %sign3A_78 : i32
      %sign3A_80 = arith.extui %sign3A_79 : i1 to i32
      %sign3A_81 = arith.subi %sign3A_77, %sign3A_80 : i32
      %sign3A_82 = arith.constant 0 : i32
      %sign3A_83 = arith.cmpi sgt, %jit3A_75, %sign3A_82 : i32
      %sign3A_84 = arith.extui %sign3A_83 : i1 to i32
      %sign3A_85 = arith.constant 0 : i32
      %sign3A_86 = arith.cmpi slt, %jit3A_75, %sign3A_85 : i32
      %sign3A_87 = arith.extui %sign3A_86 : i1 to i32
      %sign3A_88 = arith.subi %sign3A_84, %sign3A_87 : i32
      %ne3A_89 = arith.cmpi ne, %sign3A_81, %sign3A_88 : i32
      %rem3A_90 = arith.remsi %add3A_31, %jit3A_75 : i32
      %ne3A_91 = arith.constant 0 : i32
      %ne3A_92 = arith.cmpi ne, %rem3A_90, %ne3A_91 : i32
      %and3A_93 = arith.andi %ne3A_89, %ne3A_92 : i1
      %sub3A = arith.constant 1 : i32
      %sub3A_94 = arith.subi %div3A, %sub3A : i32
      %select_n3A_95 = arith.select %and3A_93, %sub3A_94, %div3A : i32
      %scan3A_96 = arith.constant 0 : i32
      %scan3A_97 = arith.constant 0 : i32
      %scan3A_98 = arith.constant 32 : i32
      %scan3A_99 = arith.addi %scan3A_97, %scan3A_98 : i32
      %scan3A_100 = arith.constant 1 : i32
      scf.for %scan3A_199 = %scan3A_97 to %scan3A_99 step %scan3A_100  : i32 {
        %mul3A_200 = arith.constant 20 : i32
        %mul3A_201 = arith.muli %scan3A_199, %mul3A_200 : i32
        %get3A = arith.index_cast %mul3A_201 : i32 to index
        %get3A_202 = arith.constant 0 : index
        %get3A_203 = tpu.vector_load %arg7[%get3A, %get3A_202] {strides = array<i32>} : memref<640x32xf32, #tpu.memory_space<vmem>>, vector<1x16xf32>,
        %get3A_204 = vector.shape_cast %get3A_203 : vector<1x16xf32> to vector<16xf32>
        %get3A_205 = arith.index_cast %mul3A_201 : i32 to index
        %get3A_206 = arith.constant 16 : index
        %get3A_207 = tpu.vector_load %arg7[%get3A_205, %get3A_206] {strides = array<i32>} : memref<640x32xf32, #tpu.memory_space<vmem>>, vector<1x16xf32>,
        %get3A_208 = vector.shape_cast %get3A_207 : vector<1x16xf32> to vector<16xf32>
        %add3A_209 = arith.constant 1 : i32
        %add3A_210 = arith.addi %mul3A_201, %add3A_209 : i32
        %get3A_211 = arith.index_cast %add3A_210 : i32 to index
        %get3A_212 = arith.constant 0 : index
        %get3A_213 = tpu.vector_load %arg7[%get3A_211, %get3A_212] {strides = array<i32>} : memref<640x32xf32, #tpu.memory_space<vmem>>, vector<1x16xf32>,
        %get3A_214 = vector.shape_cast %get3A_213 : vector<1x16xf32> to vector<16xf32>
        %add3A_215 = arith.addf %get3A_204, %get3A_214 : vector<16xf32>
        %add3A_216 = arith.constant 1 : i32
        %add3A_217 = arith.addi %mul3A_201, %add3A_216 : i32
        %get3A_218 = arith.index_cast %add3A_217 : i32 to index
        %get3A_219 = arith.constant 16 : index
        %get3A_220 = tpu.vector_load %arg7[%get3A_218, %get3A_219] {strides = array<i32>} : memref<640x32xf32, #tpu.memory_space<vmem>>, vector<1x16xf32>,
        %get3A_221 = vector.shape_cast %get3A_220 : vector<1x16xf32> to vector<16xf32>
        %add3A_222 = arith.addf %get3A_208, %get3A_221 : vector<16xf32>
        %add3A_223 = arith.constant 2 : i32
        %add3A_224 = arith.addi %mul3A_201, %add3A_223 : i32
        %get3A_225 = arith.index_cast %add3A_224 : i32 to index
        %get3A_226 = arith.constant 0 : index
        %get3A_227 = tpu.vector_load %arg7[%get3A_225, %get3A_226] {strides = array<i32>} : memref<640x32xf32, #tpu.memory_space<vmem>>, vector<1x16xf32>,
        %get3A_228 = vector.shape_cast %get3A_227 : vector<1x16xf32> to vector<16xf32>
        %add3A_229 = arith.addf %add3A_215, %get3A_228 : vector<16xf32>
        %add3A_230 = arith.constant 2 : i32
        %add3A_231 = arith.addi %mul3A_201, %add3A_230 : i32
        %get3A_232 = arith.index_cast %add3A_231 : i32 to index
        %get3A_233 = arith.constant 16 : index
        %get3A_234 = tpu.vector_load %arg7[%get3A_232, %get3A_233] {strides = array<i32>} : memref<640x32xf32, #tpu.memory_space<vmem>>, vector<1x16xf32>,
        %get3A_235 = vector.shape_cast %get3A_234 : vector<1x16xf32> to vector<16xf32>
        %add3A_236 = arith.addf %add3A_222, %get3A_235 : vector<16xf32>
        %add3A_237 = arith.constant 3 : i32
        %add3A_238 = arith.addi %mul3A_201, %add3A_237 : i32
        %get3A_239 = arith.index_cast %add3A_238 : i32 to index
        %get3A_240 = arith.constant 0 : index
        %get3A_241 = tpu.vector_load %arg7[%get3A_239, %get3A_240] {strides = array<i32>} : memref<640x32xf32, #tpu.memory_space<vmem>>, vector<1x16xf32>,
        %get3A_242 = vector.shape_cast %get3A_241 : vector<1x16xf32> to vector<16xf32>
        %add3A_243 = arith.addf %add3A_229, %get3A_242 : vector<16xf32>
        %add3A_244 = arith.constant 3 : i32
        %add3A_245 = arith.addi %mul3A_201, %add3A_244 : i32
        %get3A_246 = arith.index_cast %add3A_245 : i32 to index
        %get3A_247 = arith.constant 16 : index
        %get3A_248 = tpu.vector_load %arg7[%get3A_246, %get3A_247] {strides = array<i32>} : memref<640x32xf32, #tpu.memory_space<vmem>>, vector<1x16xf32>,
        %get3A_249 = vector.shape_cast %get3A_248 : vector<1x16xf32> to vector<16xf32>
        %add3A_250 = arith.addf %add3A_236, %get3A_249 : vector<16xf32>
        %add3A_251 = arith.constant 4 : i32
        %add3A_252 = arith.addi %mul3A_201, %add3A_251 : i32
        %get3A_253 = arith.index_cast %add3A_252 : i32 to index
        %get3A_254 = arith.constant 0 : index
        %get3A_255 = tpu.vector_load %arg7[%get3A_253, %get3A_254] {strides = array<i32>} : memref<640x32xf32, #tpu.memory_space<vmem>>, vector<1x16xf32>,
        %get3A_256 = vector.shape_cast %get3A_255 : vector<1x16xf32> to vector<16xf32>
        %add3A_257 = arith.addf %add3A_243, %get3A_256 : vector<16xf32>
        %add3A_258 = arith.constant 4 : i32
        %add3A_259 = arith.addi %mul3A_201, %add3A_258 : i32
        %get3A_260 = arith.index_cast %add3A_259 : i32 to index
        %get3A_261 = arith.constant 16 : index
        %get3A_262 = tpu.vector_load %arg7[%get3A_260, %get3A_261] {strides = array<i32>} : memref<640x32xf32, #tpu.memory_space<vmem>>, vector<1x16xf32>,
        %get3A_263 = vector.shape_cast %get3A_262 : vector<1x16xf32> to vector<16xf32>
        %add3A_264 = arith.addf %add3A_250, %get3A_263 : vector<16xf32>
        %add3A_265 = arith.constant 5 : i32
        %add3A_266 = arith.addi %mul3A_201, %add3A_265 : i32
        %get3A_267 = arith.index_cast %add3A_266 : i32 to index
        %get3A_268 = arith.constant 0 : index
        %get3A_269 = tpu.vector_load %arg7[%get3A_267, %get3A_268] {strides = array<i32>} : memref<640x32xf32, #tpu.memory_space<vmem>>, vector<1x16xf32>,
        %get3A_270 = vector.shape_cast %get3A_269 : vector<1x16xf32> to vector<16xf32>
        %add3A_271 = arith.addf %add3A_257, %get3A_270 : vector<16xf32>
        %add3A_272 = arith.constant 5 : i32
        %add3A_273 = arith.addi %mul3A_201, %add3A_272 : i32
        %get3A_274 = arith.index_cast %add3A_273 : i32 to index
        %get3A_275 = arith.constant 16 : index
        %get3A_276 = tpu.vector_load %arg7[%get3A_274, %get3A_275] {strides = array<i32>} : memref<640x32xf32, #tpu.memory_space<vmem>>, vector<1x16xf32>,
        %get3A_277 = vector.shape_cast %get3A_276 : vector<1x16xf32> to vector<16xf32>
        %add3A_278 = arith.addf %add3A_264, %get3A_277 : vector<16xf32>
        %add3A_279 = arith.constant 6 : i32
        %add3A_280 = arith.addi %mul3A_201, %add3A_279 : i32
        %get3A_281 = arith.index_cast %add3A_280 : i32 to index
        %get3A_282 = arith.constant 0 : index
        %get3A_283 = tpu.vector_load %arg7[%get3A_281, %get3A_282] {strides = array<i32>} : memref<640x32xf32, #tpu.memory_space<vmem>>, vector<1x16xf32>,
        %get3A_284 = vector.shape_cast %get3A_283 : vector<1x16xf32> to vector<16xf32>
        %add3A_285 = arith.addf %add3A_271, %get3A_284 : vector<16xf32>
        %add3A_286 = arith.constant 6 : i32
        %add3A_287 = arith.addi %mul3A_201, %add3A_286 : i32
        %get3A_288 = arith.index_cast %add3A_287 : i32 to index
        %get3A_289 = arith.constant 16 : index
        %get3A_290 = tpu.vector_load %arg7[%get3A_288, %get3A_289] {strides = array<i32>} : memref<640x32xf32, #tpu.memory_space<vmem>>, vector<1x16xf32>,
        %get3A_291 = vector.shape_cast %get3A_290 : vector<1x16xf32> to vector<16xf32>
        %add3A_292 = arith.addf %add3A_278, %get3A_291 : vector<16xf32>
        %add3A_293 = arith.constant 7 : i32
        %add3A_294 = arith.addi %mul3A_201, %add3A_293 : i32
        %get3A_295 = arith.index_cast %add3A_294 : i32 to index
        %get3A_296 = arith.constant 0 : index
        %get3A_297 = tpu.vector_load %arg7[%get3A_295, %get3A_296] {strides = array<i32>} : memref<640x32xf32, #tpu.memory_space<vmem>>, vector<1x16xf32>,
        %get3A_298 = vector.shape_cast %get3A_297 : vector<1x16xf32> to vector<16xf32>
        %add3A_299 = arith.addf %add3A_285, %get3A_298 : vector<16xf32>
        %add3A_300 = arith.constant 7 : i32
        %add3A_301 = arith.addi %mul3A_201, %add3A_300 : i32
        %get3A_302 = arith.index_cast %add3A_301 : i32 to index
        %get3A_303 = arith.constant 16 : index
        %get3A_304 = tpu.vector_load %arg7[%get3A_302, %get3A_303] {strides = array<i32>} : memref<640x32xf32, #tpu.memory_space<vmem>>, vector<1x16xf32>,
        %get3A_305 = vector.shape_cast %get3A_304 : vector<1x16xf32> to vector<16xf32>
        %add3A_306 = arith.addf %add3A_292, %get3A_305 : vector<16xf32>
        %add3A_307 = arith.constant 8 : i32
        %add3A_308 = arith.addi %mul3A_201, %add3A_307 : i32
        %get3A_309 = arith.index_cast %add3A_308 : i32 to index
        %get3A_310 = arith.constant 0 : index
        %get3A_311 = tpu.vector_load %arg7[%get3A_309, %get3A_310] {strides = array<i32>} : memref<640x32xf32, #tpu.memory_space<vmem>>, vector<1x16xf32>,
        %get3A_312 = vector.shape_cast %get3A_311 : vector<1x16xf32> to vector<16xf32>
        %add3A_313 = arith.addf %add3A_299, %get3A_312 : vector<16xf32>
        %add3A_314 = arith.constant 8 : i32
        %add3A_315 = arith.addi %mul3A_201, %add3A_314 : i32
        %get3A_316 = arith.index_cast %add3A_315 : i32 to index
        %get3A_317 = arith.constant 16 : index
        %get3A_318 = tpu.vector_load %arg7[%get3A_316, %get3A_317] {strides = array<i32>} : memref<640x32xf32, #tpu.memory_space<vmem>>, vector<1x16xf32>,
        %get3A_319 = vector.shape_cast %get3A_318 : vector<1x16xf32> to vector<16xf32>
        %add3A_320 = arith.addf %add3A_306, %get3A_319 : vector<16xf32>
        %add3A_321 = arith.constant 9 : i32
        %add3A_322 = arith.addi %mul3A_201, %add3A_321 : i32
        %get3A_323 = arith.index_cast %add3A_322 : i32 to index
        %get3A_324 = arith.constant 0 : index
        %get3A_325 = tpu.vector_load %arg7[%get3A_323, %get3A_324] {strides = array<i32>} : memref<640x32xf32, #tpu.memory_space<vmem>>, vector<1x16xf32>,
        %get3A_326 = vector.shape_cast %get3A_325 : vector<1x16xf32> to vector<16xf32>
        %add3A_327 = arith.addf %add3A_313, %get3A_326 : vector<16xf32>
        %add3A_328 = arith.constant 9 : i32
        %add3A_329 = arith.addi %mul3A_201, %add3A_328 : i32
        %get3A_330 = arith.index_cast %add3A_329 : i32 to index
        %get3A_331 = arith.constant 16 : index
        %get3A_332 = tpu.vector_load %arg7[%get3A_330, %get3A_331] {strides = array<i32>} : memref<640x32xf32, #tpu.memory_space<vmem>>, vector<1x16xf32>,
        %get3A_333 = vector.shape_cast %get3A_332 : vector<1x16xf32> to vector<16xf32>
        %add3A_334 = arith.addf %add3A_320, %get3A_333 : vector<16xf32>
        %add3A_335 = arith.constant 10 : i32
        %add3A_336 = arith.addi %mul3A_201, %add3A_335 : i32
        %get3A_337 = arith.index_cast %add3A_336 : i32 to index
        %get3A_338 = arith.constant 0 : index
        %get3A_339 = tpu.vector_load %arg7[%get3A_337, %get3A_338] {strides = array<i32>} : memref<640x32xf32, #tpu.memory_space<vmem>>, vector<1x16xf32>,
        %get3A_340 = vector.shape_cast %get3A_339 : vector<1x16xf32> to vector<16xf32>
        %add3A_341 = arith.addf %add3A_327, %get3A_340 : vector<16xf32>
        %add3A_342 = arith.constant 10 : i32
        %add3A_343 = arith.addi %mul3A_201, %add3A_342 : i32
        %get3A_344 = arith.index_cast %add3A_343 : i32 to index
        %get3A_345 = arith.constant 16 : index
        %get3A_346 = tpu.vector_load %arg7[%get3A_344, %get3A_345] {strides = array<i32>} : memref<640x32xf32, #tpu.memory_space<vmem>>, vector<1x16xf32>,
        %get3A_347 = vector.shape_cast %get3A_346 : vector<1x16xf32> to vector<16xf32>
        %add3A_348 = arith.addf %add3A_334, %get3A_347 : vector<16xf32>
        %add3A_349 = arith.constant 11 : i32
        %add3A_350 = arith.addi %mul3A_201, %add3A_349 : i32
        %get3A_351 = arith.index_cast %add3A_350 : i32 to index
        %get3A_352 = arith.constant 0 : index
        %get3A_353 = tpu.vector_load %arg7[%get3A_351, %get3A_352] {strides = array<i32>} : memref<640x32xf32, #tpu.memory_space<vmem>>, vector<1x16xf32>,
        %get3A_354 = vector.shape_cast %get3A_353 : vector<1x16xf32> to vector<16xf32>
        %add3A_355 = arith.addf %add3A_341, %get3A_354 : vector<16xf32>
        %add3A_356 = arith.constant 11 : i32
        %add3A_357 = arith.addi %mul3A_201, %add3A_356 : i32
        %get3A_358 = arith.index_cast %add3A_357 : i32 to index
        %get3A_359 = arith.constant 16 : index
        %get3A_360 = tpu.vector_load %arg7[%get3A_358, %get3A_359] {strides = array<i32>} : memref<640x32xf32, #tpu.memory_space<vmem>>, vector<1x16xf32>,
        %get3A_361 = vector.shape_cast %get3A_360 : vector<1x16xf32> to vector<16xf32>
        %add3A_362 = arith.addf %add3A_348, %get3A_361 : vector<16xf32>
        %add3A_363 = arith.constant 12 : i32
        %add3A_364 = arith.addi %mul3A_201, %add3A_363 : i32
        %get3A_365 = arith.index_cast %add3A_364 : i32 to index
        %get3A_366 = arith.constant 0 : index
        %get3A_367 = tpu.vector_load %arg7[%get3A_365, %get3A_366] {strides = array<i32>} : memref<640x32xf32, #tpu.memory_space<vmem>>, vector<1x16xf32>,
        %get3A_368 = vector.shape_cast %get3A_367 : vector<1x16xf32> to vector<16xf32>
        %add3A_369 = arith.addf %add3A_355, %get3A_368 : vector<16xf32>
        %add3A_370 = arith.constant 12 : i32
        %add3A_371 = arith.addi %mul3A_201, %add3A_370 : i32
        %get3A_372 = arith.index_cast %add3A_371 : i32 to index
        %get3A_373 = arith.constant 16 : index
        %get3A_374 = tpu.vector_load %arg7[%get3A_372, %get3A_373] {strides = array<i32>} : memref<640x32xf32, #tpu.memory_space<vmem>>, vector<1x16xf32>,
        %get3A_375 = vector.shape_cast %get3A_374 : vector<1x16xf32> to vector<16xf32>
        %add3A_376 = arith.addf %add3A_362, %get3A_375 : vector<16xf32>
        %add3A_377 = arith.constant 13 : i32
        %add3A_378 = arith.addi %mul3A_201, %add3A_377 : i32
        %get3A_379 = arith.index_cast %add3A_378 : i32 to index
        %get3A_380 = arith.constant 0 : index
        %get3A_381 = tpu.vector_load %arg7[%get3A_379, %get3A_380] {strides = array<i32>} : memref<640x32xf32, #tpu.memory_space<vmem>>, vector<1x16xf32>,
        %get3A_382 = vector.shape_cast %get3A_381 : vector<1x16xf32> to vector<16xf32>
        %add3A_383 = arith.addf %add3A_369, %get3A_382 : vector<16xf32>
        %add3A_384 = arith.constant 13 : i32
        %add3A_385 = arith.addi %mul3A_201, %add3A_384 : i32
        %get3A_386 = arith.index_cast %add3A_385 : i32 to index
        %get3A_387 = arith.constant 16 : index
        %get3A_388 = tpu.vector_load %arg7[%get3A_386, %get3A_387] {strides = array<i32>} : memref<640x32xf32, #tpu.memory_space<vmem>>, vector<1x16xf32>,
        %get3A_389 = vector.shape_cast %get3A_388 : vector<1x16xf32> to vector<16xf32>
        %add3A_390 = arith.addf %add3A_376, %get3A_389 : vector<16xf32>
        %add3A_391 = arith.constant 14 : i32
        %add3A_392 = arith.addi %mul3A_201, %add3A_391 : i32
        %get3A_393 = arith.index_cast %add3A_392 : i32 to index
        %get3A_394 = arith.constant 0 : index
        %get3A_395 = tpu.vector_load %arg7[%get3A_393, %get3A_394] {strides = array<i32>} : memref<640x32xf32, #tpu.memory_space<vmem>>, vector<1x16xf32>,
        %get3A_396 = vector.shape_cast %get3A_395 : vector<1x16xf32> to vector<16xf32>
        %add3A_397 = arith.addf %add3A_383, %get3A_396 : vector<16xf32>
        %add3A_398 = arith.constant 14 : i32
        %add3A_399 = arith.addi %mul3A_201, %add3A_398 : i32
        %get3A_400 = arith.index_cast %add3A_399 : i32 to index
        %get3A_401 = arith.constant 16 : index
        %get3A_402 = tpu.vector_load %arg7[%get3A_400, %get3A_401] {strides = array<i32>} : memref<640x32xf32, #tpu.memory_space<vmem>>, vector<1x16xf32>,
        %get3A_403 = vector.shape_cast %get3A_402 : vector<1x16xf32> to vector<16xf32>
        %add3A_404 = arith.addf %add3A_390, %get3A_403 : vector<16xf32>
        %add3A_405 = arith.constant 15 : i32
        %add3A_406 = arith.addi %mul3A_201, %add3A_405 : i32
        %get3A_407 = arith.index_cast %add3A_406 : i32 to index
        %get3A_408 = arith.constant 0 : index
        %get3A_409 = tpu.vector_load %arg7[%get3A_407, %get3A_408] {strides = array<i32>} : memref<640x32xf32, #tpu.memory_space<vmem>>, vector<1x16xf32>,
        %get3A_410 = vector.shape_cast %get3A_409 : vector<1x16xf32> to vector<16xf32>
        %add3A_411 = arith.addf %add3A_397, %get3A_410 : vector<16xf32>
        %add3A_412 = arith.constant 15 : i32
        %add3A_413 = arith.addi %mul3A_201, %add3A_412 : i32
        %get3A_414 = arith.index_cast %add3A_413 : i32 to index
        %get3A_415 = arith.constant 16 : index
        %get3A_416 = tpu.vector_load %arg7[%get3A_414, %get3A_415] {strides = array<i32>} : memref<640x32xf32, #tpu.memory_space<vmem>>, vector<1x16xf32>,
        %get3A_417 = vector.shape_cast %get3A_416 : vector<1x16xf32> to vector<16xf32>
        %add3A_418 = arith.addf %add3A_404, %get3A_417 : vector<16xf32>
        %add3A_419 = arith.constant 16 : i32
        %add3A_420 = arith.addi %mul3A_201, %add3A_419 : i32
        %get3A_421 = arith.index_cast %add3A_420 : i32 to index
        %get3A_422 = arith.constant 0 : index
        %get3A_423 = tpu.vector_load %arg7[%get3A_421, %get3A_422] {strides = array<i32>} : memref<640x32xf32, #tpu.memory_space<vmem>>, vector<1x16xf32>,
        %get3A_424 = vector.shape_cast %get3A_423 : vector<1x16xf32> to vector<16xf32>
        %add3A_425 = arith.addf %add3A_411, %get3A_424 : vector<16xf32>
        %add3A_426 = arith.constant 16 : i32
        %add3A_427 = arith.addi %mul3A_201, %add3A_426 : i32
        %get3A_428 = arith.index_cast %add3A_427 : i32 to index
        %get3A_429 = arith.constant 16 : index
        %get3A_430 = tpu.vector_load %arg7[%get3A_428, %get3A_429] {strides = array<i32>} : memref<640x32xf32, #tpu.memory_space<vmem>>, vector<1x16xf32>,
        %get3A_431 = vector.shape_cast %get3A_430 : vector<1x16xf32> to vector<16xf32>
        %add3A_432 = arith.addf %add3A_418, %get3A_431 : vector<16xf32>
        %add3A_433 = arith.constant 17 : i32
        %add3A_434 = arith.addi %mul3A_201, %add3A_433 : i32
        %get3A_435 = arith.index_cast %add3A_434 : i32 to index
        %get3A_436 = arith.constant 0 : index
        %get3A_437 = tpu.vector_load %arg7[%get3A_435, %get3A_436] {strides = array<i32>} : memref<640x32xf32, #tpu.memory_space<vmem>>, vector<1x16xf32>,
        %get3A_438 = vector.shape_cast %get3A_437 : vector<1x16xf32> to vector<16xf32>
        %add3A_439 = arith.addf %add3A_425, %get3A_438 : vector<16xf32>
        %add3A_440 = arith.constant 17 : i32
        %add3A_441 = arith.addi %mul3A_201, %add3A_440 : i32
        %get3A_442 = arith.index_cast %add3A_441 : i32 to index
        %get3A_443 = arith.constant 16 : index
        %get3A_444 = tpu.vector_load %arg7[%get3A_442, %get3A_443] {strides = array<i32>} : memref<640x32xf32, #tpu.memory_space<vmem>>, vector<1x16xf32>,
        %get3A_445 = vector.shape_cast %get3A_444 : vector<1x16xf32> to vector<16xf32>
        %add3A_446 = arith.addf %add3A_432, %get3A_445 : vector<16xf32>
        %add3A_447 = arith.constant 18 : i32
        %add3A_448 = arith.addi %mul3A_201, %add3A_447 : i32
        %get3A_449 = arith.index_cast %add3A_448 : i32 to index
        %get3A_450 = arith.constant 0 : index
        %get3A_451 = tpu.vector_load %arg7[%get3A_449, %get3A_450] {strides = array<i32>} : memref<640x32xf32, #tpu.memory_space<vmem>>, vector<1x16xf32>,
        %get3A_452 = vector.shape_cast %get3A_451 : vector<1x16xf32> to vector<16xf32>
        %add3A_453 = arith.addf %add3A_439, %get3A_452 : vector<16xf32>
        %add3A_454 = arith.constant 18 : i32
        %add3A_455 = arith.addi %mul3A_201, %add3A_454 : i32
        %get3A_456 = arith.index_cast %add3A_455 : i32 to index
        %get3A_457 = arith.constant 16 : index
        %get3A_458 = tpu.vector_load %arg7[%get3A_456, %get3A_457] {strides = array<i32>} : memref<640x32xf32, #tpu.memory_space<vmem>>, vector<1x16xf32>,
        %get3A_459 = vector.shape_cast %get3A_458 : vector<1x16xf32> to vector<16xf32>
        %add3A_460 = arith.addf %add3A_446, %get3A_459 : vector<16xf32>
        %add3A_461 = arith.constant 19 : i32
        %add3A_462 = arith.addi %mul3A_201, %add3A_461 : i32
        %get3A_463 = arith.index_cast %add3A_462 : i32 to index
        %get3A_464 = arith.constant 0 : index
        %get3A_465 = tpu.vector_load %arg7[%get3A_463, %get3A_464] {strides = array<i32>} : memref<640x32xf32, #tpu.memory_space<vmem>>, vector<1x16xf32>,
        %get3A_466 = vector.shape_cast %get3A_465 : vector<1x16xf32> to vector<16xf32>
        %add3A_467 = arith.addf %add3A_453, %get3A_466 : vector<16xf32>
        %add3A_468 = arith.constant 19 : i32
        %add3A_469 = arith.addi %mul3A_201, %add3A_468 : i32
        %get3A_470 = arith.index_cast %add3A_469 : i32 to index
        %get3A_471 = arith.constant 16 : index
        %get3A_472 = tpu.vector_load %arg7[%get3A_470, %get3A_471] {strides = array<i32>} : memref<640x32xf32, #tpu.memory_space<vmem>>, vector<1x16xf32>,
        %get3A_473 = vector.shape_cast %get3A_472 : vector<1x16xf32> to vector<16xf32>
        %add3A_474 = arith.addf %add3A_460, %get3A_473 : vector<16xf32>
        %mul3A_475 = arith.constant 32 : i32
        %mul3A_476 = arith.muli %select_n3A_74, %mul3A_475 : i32
        %swap3A = arith.index_cast %scan3A_199 : i32 to index
        %swap3A_477 = arith.index_cast %mul3A_476 : i32 to index
        %swap3A_478 = tpu.vector_load %arg9[%swap3A, %swap3A_477] {strides = array<i32>} : memref<32x416xf32, #tpu.memory_space<vmem>>, vector<1x16xf32>,
        %swap3A_479 = vector.shape_cast %swap3A_478 : vector<1x16xf32> to vector<16xf32>
        %swap3A_480 = vector.shape_cast %add3A_467 : vector<16xf32> to vector<1x16xf32>
        tpu.vector_store %arg9[%swap3A, %swap3A_477], %swap3A_480 {strides = array<i32>} : memref<32x416xf32, #tpu.memory_space<vmem>>, vector<1x16xf32>,
        %mul3A_481 = arith.constant 32 : i32
        %mul3A_482 = arith.muli %select_n3A_74, %mul3A_481 : i32
        %add3A_483 = arith.constant 16 : i32
        %add3A_484 = arith.addi %mul3A_482, %add3A_483 : i32
        %swap3A_485 = arith.index_cast %scan3A_199 : i32 to index
        %swap3A_486 = arith.index_cast %add3A_484 : i32 to index
        %swap3A_487 = tpu.vector_load %arg9[%swap3A_485, %swap3A_486] {strides = array<i32>} : memref<32x416xf32, #tpu.memory_space<vmem>>, vector<1x16xf32>,
        %swap3A_488 = vector.shape_cast %swap3A_487 : vector<1x16xf32> to vector<16xf32>
        %swap3A_489 = vector.shape_cast %add3A_474 : vector<16xf32> to vector<1x16xf32>
        tpu.vector_store %arg9[%swap3A_485, %swap3A_486], %swap3A_489 {strides = array<i32>} : memref<32x416xf32, #tpu.memory_space<vmem>>, vector<1x16xf32>,
      }
      %scan3A_101 = arith.constant 32 : i32
      %eq3A_102 = arith.constant 12 : i32
      %eq3A_103 = arith.cmpi eq, %select_n3A_74, %eq3A_102 : i32
      %convert_element_type3A_104 = arith.extui %eq3A_103 : i1 to i32
      %cond3A_105 = arith.constant 0 : i32
      %cond3A_106 = arith.cmpi ne, %convert_element_type3A_104, %cond3A_105 : i32
      scf.if %cond3A_106 {
        %mul3A_199 = arith.constant 128 : i32
        %mul3A_200 = arith.muli %add3A, %mul3A_199 : i32
        %mul3A_201 = arith.constant 32 : i32
        %mul3A_202 = arith.muli %select_n3A_95, %mul3A_201 : i32
        %add3A_203 = arith.addi %mul3A_200, %mul3A_202 : i32
        "tpu.region"() ({
          %run_scoped3A = tpu.sem_alloc : memref<!tpu.dma_semaphore, #tpu.memory_space<semaphore_mem>>
          %dma_start3A_204 = arith.constant 0 : i32
          %dma_start3A_205 = tpu.memref_slice %arg4[%add3A_203, %dma_start3A_204] : memref<4096x416xf32, #tpu.memory_space<hbm>> -> memref<32x416xf32, #tpu.memory_space<hbm>>
          %dma_start3A_206 = arith.constant 0 : i32
          %dma_start3A_207 = tpu.memref_slice %arg4[%add3A_203, %dma_start3A_206] : memref<4096x416xf32, #tpu.memory_space<hbm>> -> memref<32x416xf32, #tpu.memory_space<hbm>>
          tpu.enqueue_dma source(%arg9 : memref<32x416xf32, #tpu.memory_space<vmem>>) target(%dma_start3A_207 : memref<32x416xf32, #tpu.memory_space<hbm>>) target_semaphore(%run_scoped3A : memref<!tpu.dma_semaphore, #tpu.memory_space<semaphore_mem>>)
          %dma_wait3A_208 = arith.constant 0 : i32
          %dma_wait3A_209 = tpu.memref_slice %arg4[%add3A_203, %dma_wait3A_208] : memref<4096x416xf32, #tpu.memory_space<hbm>> -> memref<32x416xf32, #tpu.memory_space<hbm>>
          %dma_wait3A_210 = arith.constant 0 : i32
          %dma_wait3A_211 = tpu.memref_slice %arg4[%add3A_203, %dma_wait3A_210] : memref<4096x416xf32, #tpu.memory_space<hbm>> -> memref<32x416xf32, #tpu.memory_space<hbm>>
          tpu.wait_dma2 semaphore(%run_scoped3A : memref<!tpu.dma_semaphore, #tpu.memory_space<semaphore_mem>>) src(%arg9 : memref<32x416xf32, #tpu.memory_space<vmem>>) dst(%dma_wait3A_211 : memref<32x416xf32, #tpu.memory_space<hbm>>)
          tpu.yield
        }) : () -> ()
      } else {
      }
      %mul3A_107 = arith.constant 2 : i32
      %mul3A_108 = arith.muli %scan3A_27, %mul3A_107 : i32
      %add3A_109 = arith.constant 1 : i32
      %add3A_110 = arith.addi %mul3A_108, %add3A_109 : i32
      %add3A_111 = arith.constant 1 : i32
      %add3A_112 = arith.addi %add3A_110, %add3A_111 : i32
      %lt3A_113 = arith.constant 52 : i32
      %lt3A_114 = arith.cmpi slt, %add3A_112, %lt3A_113 : i32
      %convert_element_type3A_115 = arith.extui %lt3A_114 : i1 to i32
      %cond3A_116 = arith.constant 0 : i32
      %cond3A_117 = arith.cmpi ne, %convert_element_type3A_115, %cond3A_116 : i32
      scf.if %cond3A_117 {
        %dma_wait3A_199 = arith.constant 0 : i32
        %dma_wait3A_200 = tpu.memref_slice %arg2[%dma_wait3A_199] : memref<1064960xi32, #tpu.memory_space<hbm>> -> memref<640xi32, #tpu.memory_space<hbm>>
        %dma_wait3A_201 = arith.constant 0 : i32
        %dma_wait3A_202 = tpu.memref_slice %arg2[%dma_wait3A_201] : memref<1064960xi32, #tpu.memory_space<hbm>> -> memref<640xi32, #tpu.memory_space<hbm>>
        tpu.wait_dma2 semaphore(%arg12 : memref<!tpu.dma_semaphore, #tpu.memory_space<semaphore_mem>>) src(%dma_wait3A_202 : memref<640xi32, #tpu.memory_space<hbm>>) dst(%arg5 : memref<640xi32, #tpu.memory_space<vmem>>)
        %add3A_203 = arith.constant 1 : i32
        %add3A_204 = arith.addi %add3A_110, %add3A_203 : i32
        %jit3A_205 = arith.constant 13 : i32
        %eq3A_206 = arith.constant 0 : i32
        %eq3A_207 = arith.cmpi eq, %jit3A_205, %eq3A_206 : i32
        %jit3A_208 = arith.constant 1 : i32
        %select_n3A_209 = arith.select %eq3A_207, %jit3A_208, %jit3A_205 : i32
        %rem3A_210 = arith.remsi %add3A_204, %select_n3A_209 : i32
        %ne3A_211 = arith.constant 0 : i32
        %ne3A_212 = arith.cmpi ne, %rem3A_210, %ne3A_211 : i32
        %lt3A_213 = arith.constant 0 : i32
        %lt3A_214 = arith.cmpi slt, %rem3A_210, %lt3A_213 : i32
        %lt3A_215 = arith.constant 0 : i32
        %lt3A_216 = arith.cmpi slt, %select_n3A_209, %lt3A_215 : i32
        %ne3A_217 = arith.xori %lt3A_214, %lt3A_216 : i1
        %and3A_218 = arith.andi %ne3A_217, %ne3A_212 : i1
        %add3A_219 = arith.addi %rem3A_210, %select_n3A_209 : i32
        %select_n3A_220 = arith.select %and3A_218, %add3A_219, %rem3A_210 : i32
        %dma_start3A_221 = arith.constant 0 : i32
        %dma_start3A_222 = arith.constant 0 : i32
        %dma_start3A_223 = tpu.memref_slice %arg3[%select_n3A_220, %dma_start3A_221, %dma_start3A_222] : memref<13x100000x32xf32, #tpu.memory_space<hbm>> -> memref<1x100000x32xf32, #tpu.memory_space<hbm>>
        %dma_start3A_224 = tpu.memref_squeeze %dma_start3A_223 : memref<1x100000x32xf32, #tpu.memory_space<hbm>> -> memref<100000x32xf32, #tpu.memory_space<hbm>>
        %dma_start3A_225 = arith.constant 0 : i32
        %dma_start3A_226 = arith.constant 0 : i32
        %dma_start3A_227 = tpu.memref_slice %dma_start3A_224[%dma_start3A_225, %dma_start3A_226] : memref<100000x32xf32, #tpu.memory_space<hbm>> -> memref<100000x32xf32, #tpu.memory_space<hbm>>
        tpu.enqueue_indirect_dma source(%dma_start3A_227 : memref<100000x32xf32, #tpu.memory_space<hbm>>) target(%arg7 : memref<640x32xf32, #tpu.memory_space<vmem>>) offsets(%arg5 : memref<640xi32, #tpu.memory_space<vmem>>) semaphore(%arg10 : memref<!tpu.dma_semaphore, #tpu.memory_space<semaphore_mem>>)
      } else {
      }
      %jit3A_118 = arith.constant 13 : i32
      %eq3A_119 = arith.constant 0 : i32
      %eq3A_120 = arith.cmpi eq, %jit3A_118, %eq3A_119 : i32
      %jit3A_121 = arith.constant 1 : i32
      %select_n3A_122 = arith.select %eq3A_120, %jit3A_121, %jit3A_118 : i32
      %rem3A_123 = arith.remsi %add3A_110, %select_n3A_122 : i32
      %ne3A_124 = arith.constant 0 : i32
      %ne3A_125 = arith.cmpi ne, %rem3A_123, %ne3A_124 : i32
      %lt3A_126 = arith.constant 0 : i32
      %lt3A_127 = arith.cmpi slt, %rem3A_123, %lt3A_126 : i32
      %lt3A_128 = arith.constant 0 : i32
      %lt3A_129 = arith.cmpi slt, %select_n3A_122, %lt3A_128 : i32
      %ne3A_130 = arith.xori %lt3A_127, %lt3A_129 : i1
      %and3A_131 = arith.andi %ne3A_130, %ne3A_125 : i1
      %add3A_132 = arith.addi %rem3A_123, %select_n3A_122 : i32
      %select_n3A_133 = arith.select %and3A_131, %add3A_132, %rem3A_123 : i32
      %dma_wait3A_134 = arith.constant 0 : i32
      %dma_wait3A_135 = arith.constant 0 : i32
      %dma_wait3A_136 = tpu.memref_slice %arg3[%select_n3A_133, %dma_wait3A_134, %dma_wait3A_135] : memref<13x100000x32xf32, #tpu.memory_space<hbm>> -> memref<1x100000x32xf32, #tpu.memory_space<hbm>>
      %dma_wait3A_137 = tpu.memref_squeeze %dma_wait3A_136 : memref<1x100000x32xf32, #tpu.memory_space<hbm>> -> memref<100000x32xf32, #tpu.memory_space<hbm>>
      %dma_wait3A_138 = arith.constant 0 : i32
      %dma_wait3A_139 = arith.constant 0 : i32
      %dma_wait3A_140 = tpu.memref_slice %dma_wait3A_137[%dma_wait3A_138, %dma_wait3A_139] : memref<100000x32xf32, #tpu.memory_space<hbm>> -> memref<100000x32xf32, #tpu.memory_space<hbm>>
      tpu.wait_indirect_dma semaphore(%arg11 : memref<!tpu.dma_semaphore, #tpu.memory_space<semaphore_mem>>) src(%dma_wait3A_140 : memref<100000x32xf32, #tpu.memory_space<hbm>>) dst(%arg8 : memref<640x32xf32, #tpu.memory_space<vmem>>)
      %add3A_141 = arith.constant 2 : i32
      %add3A_142 = arith.addi %add3A_110, %add3A_141 : i32
      %lt3A_143 = arith.constant 52 : i32
      %lt3A_144 = arith.cmpi slt, %add3A_142, %lt3A_143 : i32
      %convert_element_type3A_145 = arith.extui %lt3A_144 : i1 to i32
      %cond3A_146 = arith.constant 0 : i32
      %cond3A_147 = arith.cmpi ne, %convert_element_type3A_145, %cond3A_146 : i32
      scf.if %cond3A_147 {
        %add3A_199 = arith.constant 2 : i32
        %add3A_200 = arith.addi %add3A_110, %add3A_199 : i32
        %jit3A_201 = arith.constant 13 : i32
        %eq3A_202 = arith.constant 0 : i32
        %eq3A_203 = arith.cmpi eq, %jit3A_201, %eq3A_202 : i32
        %jit3A_204 = arith.constant 1 : i32
        %select_n3A_205 = arith.select %eq3A_203, %jit3A_204, %jit3A_201 : i32
        %rem3A_206 = arith.remsi %add3A_200, %select_n3A_205 : i32
        %ne3A_207 = arith.constant 0 : i32
        %ne3A_208 = arith.cmpi ne, %rem3A_206, %ne3A_207 : i32
        %lt3A_209 = arith.constant 0 : i32
        %lt3A_210 = arith.cmpi slt, %rem3A_206, %lt3A_209 : i32
        %lt3A_211 = arith.constant 0 : i32
        %lt3A_212 = arith.cmpi slt, %select_n3A_205, %lt3A_211 : i32
        %ne3A_213 = arith.xori %lt3A_210, %lt3A_212 : i1
        %and3A_214 = arith.andi %ne3A_213, %ne3A_208 : i1
        %add3A_215 = arith.addi %rem3A_206, %select_n3A_205 : i32
        %select_n3A_216 = arith.select %and3A_214, %add3A_215, %rem3A_206 : i32
        %jit3A_217 = arith.constant 13 : i32
        %div3A_218 = arith.divsi %add3A_200, %jit3A_217 : i32
        %sign3A_219 = arith.constant 0 : i32
        %sign3A_220 = arith.cmpi sgt, %add3A_200, %sign3A_219 : i32
        %sign3A_221 = arith.extui %sign3A_220 : i1 to i32
        %sign3A_222 = arith.constant 0 : i32
        %sign3A_223 = arith.cmpi slt, %add3A_200, %sign3A_222 : i32
        %sign3A_224 = arith.extui %sign3A_223 : i1 to i32
        %sign3A_225 = arith.subi %sign3A_221, %sign3A_224 : i32
        %sign3A_226 = arith.constant 0 : i32
        %sign3A_227 = arith.cmpi sgt, %jit3A_217, %sign3A_226 : i32
        %sign3A_228 = arith.extui %sign3A_227 : i1 to i32
        %sign3A_229 = arith.constant 0 : i32
        %sign3A_230 = arith.cmpi slt, %jit3A_217, %sign3A_229 : i32
        %sign3A_231 = arith.extui %sign3A_230 : i1 to i32
        %sign3A_232 = arith.subi %sign3A_228, %sign3A_231 : i32
        %ne3A_233 = arith.cmpi ne, %sign3A_225, %sign3A_232 : i32
        %rem3A_234 = arith.remsi %add3A_200, %jit3A_217 : i32
        %ne3A_235 = arith.constant 0 : i32
        %ne3A_236 = arith.cmpi ne, %rem3A_234, %ne3A_235 : i32
        %and3A_237 = arith.andi %ne3A_233, %ne3A_236 : i1
        %sub3A_238 = arith.constant 1 : i32
        %sub3A_239 = arith.subi %div3A_218, %sub3A_238 : i32
        %select_n3A_240 = arith.select %and3A_237, %sub3A_239, %div3A_218 : i32
        %mul3A_241 = arith.constant 81920 : i32
        %mul3A_242 = arith.muli %select_n3A_216, %mul3A_241 : i32
        %mul3A_243 = arith.constant 2560 : i32
        %mul3A_244 = arith.muli %add3A, %mul3A_243 : i32
        %add3A_245 = arith.addi %mul3A_242, %mul3A_244 : i32
        %mul3A_246 = arith.constant 640 : i32
        %mul3A_247 = arith.muli %select_n3A_240, %mul3A_246 : i32
        %add3A_248 = arith.addi %add3A_245, %mul3A_247 : i32
        %dma_start3A_249 = tpu.memref_slice %arg2[%add3A_248] : memref<1064960xi32, #tpu.memory_space<hbm>> -> memref<640xi32, #tpu.memory_space<hbm>>
        %dma_start3A_250 = tpu.memref_slice %arg2[%add3A_248] : memref<1064960xi32, #tpu.memory_space<hbm>> -> memref<640xi32, #tpu.memory_space<hbm>>
        tpu.enqueue_dma source(%dma_start3A_250 : memref<640xi32, #tpu.memory_space<hbm>>) target(%arg6 : memref<640xi32, #tpu.memory_space<vmem>>) target_semaphore(%arg12 : memref<!tpu.dma_semaphore, #tpu.memory_space<semaphore_mem>>)
      } else {
      }
      %jit3A_148 = arith.constant 13 : i32
      %eq3A_149 = arith.constant 0 : i32
      %eq3A_150 = arith.cmpi eq, %jit3A_148, %eq3A_149 : i32
      %jit3A_151 = arith.constant 1 : i32
      %select_n3A_152 = arith.select %eq3A_150, %jit3A_151, %jit3A_148 : i32
      %rem3A_153 = arith.remsi %add3A_110, %select_n3A_152 : i32
      %ne3A_154 = arith.constant 0 : i32
      %ne3A_155 = arith.cmpi ne, %rem3A_153, %ne3A_154 : i32
      %lt3A_156 = arith.constant 0 : i32
      %lt3A_157 = arith.cmpi slt, %rem3A_153, %lt3A_156 : i32
      %lt3A_158 = arith.constant 0 : i32
      %lt3A_159 = arith.cmpi slt, %select_n3A_152, %lt3A_158 : i32
      %ne3A_160 = arith.xori %lt3A_157, %lt3A_159 : i1
      %and3A_161 = arith.andi %ne3A_160, %ne3A_155 : i1
      %add3A_162 = arith.addi %rem3A_153, %select_n3A_152 : i32
      %select_n3A_163 = arith.select %and3A_161, %add3A_162, %rem3A_153 : i32
      %jit3A_164 = arith.constant 13 : i32
      %div3A_165 = arith.divsi %add3A_110, %jit3A_164 : i32
      %sign3A_166 = arith.constant 0 : i32
      %sign3A_167 = arith.cmpi sgt, %add3A_110, %sign3A_166 : i32
      %sign3A_168 = arith.extui %sign3A_167 : i1 to i32
      %sign3A_169 = arith.constant 0 : i32
      %sign3A_170 = arith.cmpi slt, %add3A_110, %sign3A_169 : i32
      %sign3A_171 = arith.extui %sign3A_170 : i1 to i32
      %sign3A_172 = arith.subi %sign3A_168, %sign3A_171 : i32
      %sign3A_173 = arith.constant 0 : i32
      %sign3A_174 = arith.cmpi sgt, %jit3A_164, %sign3A_173 : i32
      %sign3A_175 = arith.extui %sign3A_174 : i1 to i32
      %sign3A_176 = arith.constant 0 : i32
      %sign3A_177 = arith.cmpi slt, %jit3A_164, %sign3A_176 : i32
      %sign3A_178 = arith.extui %sign3A_177 : i1 to i32
      %sign3A_179 = arith.subi %sign3A_175, %sign3A_178 : i32
      %ne3A_180 = arith.cmpi ne, %sign3A_172, %sign3A_179 : i32
      %rem3A_181 = arith.remsi %add3A_110, %jit3A_164 : i32
      %ne3A_182 = arith.constant 0 : i32
      %ne3A_183 = arith.cmpi ne, %rem3A_181, %ne3A_182 : i32
      %and3A_184 = arith.andi %ne3A_180, %ne3A_183 : i1
      %sub3A_185 = arith.constant 1 : i32
      %sub3A_186 = arith.subi %div3A_165, %sub3A_185 : i32
      %select_n3A_187 = arith.select %and3A_184, %sub3A_186, %div3A_165 : i32
      %scan3A_188 = arith.constant 0 : i32
      %scan3A_189 = arith.constant 0 : i32
      %scan3A_190 = arith.constant 32 : i32
      %scan3A_191 = arith.addi %scan3A_189, %scan3A_190 : i32
      %scan3A_192 = arith.constant 1 : i32
      scf.for %scan3A_199 = %scan3A_189 to %scan3A_191 step %scan3A_192  : i32 {
        %mul3A_200 = arith.constant 20 : i32
        %mul3A_201 = arith.muli %scan3A_199, %mul3A_200 : i32
        %get3A = arith.index_cast %mul3A_201 : i32 to index
        %get3A_202 = arith.constant 0 : index
        %get3A_203 = tpu.vector_load %arg8[%get3A, %get3A_202] {strides = array<i32>} : memref<640x32xf32, #tpu.memory_space<vmem>>, vector<1x16xf32>,
        %get3A_204 = vector.shape_cast %get3A_203 : vector<1x16xf32> to vector<16xf32>
        %get3A_205 = arith.index_cast %mul3A_201 : i32 to index
        %get3A_206 = arith.constant 16 : index
        %get3A_207 = tpu.vector_load %arg8[%get3A_205, %get3A_206] {strides = array<i32>} : memref<640x32xf32, #tpu.memory_space<vmem>>, vector<1x16xf32>,
        %get3A_208 = vector.shape_cast %get3A_207 : vector<1x16xf32> to vector<16xf32>
        %add3A_209 = arith.constant 1 : i32
        %add3A_210 = arith.addi %mul3A_201, %add3A_209 : i32
        %get3A_211 = arith.index_cast %add3A_210 : i32 to index
        %get3A_212 = arith.constant 0 : index
        %get3A_213 = tpu.vector_load %arg8[%get3A_211, %get3A_212] {strides = array<i32>} : memref<640x32xf32, #tpu.memory_space<vmem>>, vector<1x16xf32>,
        %get3A_214 = vector.shape_cast %get3A_213 : vector<1x16xf32> to vector<16xf32>
        %add3A_215 = arith.addf %get3A_204, %get3A_214 : vector<16xf32>
        %add3A_216 = arith.constant 1 : i32
        %add3A_217 = arith.addi %mul3A_201, %add3A_216 : i32
        %get3A_218 = arith.index_cast %add3A_217 : i32 to index
        %get3A_219 = arith.constant 16 : index
        %get3A_220 = tpu.vector_load %arg8[%get3A_218, %get3A_219] {strides = array<i32>} : memref<640x32xf32, #tpu.memory_space<vmem>>, vector<1x16xf32>,
        %get3A_221 = vector.shape_cast %get3A_220 : vector<1x16xf32> to vector<16xf32>
        %add3A_222 = arith.addf %get3A_208, %get3A_221 : vector<16xf32>
        %add3A_223 = arith.constant 2 : i32
        %add3A_224 = arith.addi %mul3A_201, %add3A_223 : i32
        %get3A_225 = arith.index_cast %add3A_224 : i32 to index
        %get3A_226 = arith.constant 0 : index
        %get3A_227 = tpu.vector_load %arg8[%get3A_225, %get3A_226] {strides = array<i32>} : memref<640x32xf32, #tpu.memory_space<vmem>>, vector<1x16xf32>,
        %get3A_228 = vector.shape_cast %get3A_227 : vector<1x16xf32> to vector<16xf32>
        %add3A_229 = arith.addf %add3A_215, %get3A_228 : vector<16xf32>
        %add3A_230 = arith.constant 2 : i32
        %add3A_231 = arith.addi %mul3A_201, %add3A_230 : i32
        %get3A_232 = arith.index_cast %add3A_231 : i32 to index
        %get3A_233 = arith.constant 16 : index
        %get3A_234 = tpu.vector_load %arg8[%get3A_232, %get3A_233] {strides = array<i32>} : memref<640x32xf32, #tpu.memory_space<vmem>>, vector<1x16xf32>,
        %get3A_235 = vector.shape_cast %get3A_234 : vector<1x16xf32> to vector<16xf32>
        %add3A_236 = arith.addf %add3A_222, %get3A_235 : vector<16xf32>
        %add3A_237 = arith.constant 3 : i32
        %add3A_238 = arith.addi %mul3A_201, %add3A_237 : i32
        %get3A_239 = arith.index_cast %add3A_238 : i32 to index
        %get3A_240 = arith.constant 0 : index
        %get3A_241 = tpu.vector_load %arg8[%get3A_239, %get3A_240] {strides = array<i32>} : memref<640x32xf32, #tpu.memory_space<vmem>>, vector<1x16xf32>,
        %get3A_242 = vector.shape_cast %get3A_241 : vector<1x16xf32> to vector<16xf32>
        %add3A_243 = arith.addf %add3A_229, %get3A_242 : vector<16xf32>
        %add3A_244 = arith.constant 3 : i32
        %add3A_245 = arith.addi %mul3A_201, %add3A_244 : i32
        %get3A_246 = arith.index_cast %add3A_245 : i32 to index
        %get3A_247 = arith.constant 16 : index
        %get3A_248 = tpu.vector_load %arg8[%get3A_246, %get3A_247] {strides = array<i32>} : memref<640x32xf32, #tpu.memory_space<vmem>>, vector<1x16xf32>,
        %get3A_249 = vector.shape_cast %get3A_248 : vector<1x16xf32> to vector<16xf32>
        %add3A_250 = arith.addf %add3A_236, %get3A_249 : vector<16xf32>
        %add3A_251 = arith.constant 4 : i32
        %add3A_252 = arith.addi %mul3A_201, %add3A_251 : i32
        %get3A_253 = arith.index_cast %add3A_252 : i32 to index
        %get3A_254 = arith.constant 0 : index
        %get3A_255 = tpu.vector_load %arg8[%get3A_253, %get3A_254] {strides = array<i32>} : memref<640x32xf32, #tpu.memory_space<vmem>>, vector<1x16xf32>,
        %get3A_256 = vector.shape_cast %get3A_255 : vector<1x16xf32> to vector<16xf32>
        %add3A_257 = arith.addf %add3A_243, %get3A_256 : vector<16xf32>
        %add3A_258 = arith.constant 4 : i32
        %add3A_259 = arith.addi %mul3A_201, %add3A_258 : i32
        %get3A_260 = arith.index_cast %add3A_259 : i32 to index
        %get3A_261 = arith.constant 16 : index
        %get3A_262 = tpu.vector_load %arg8[%get3A_260, %get3A_261] {strides = array<i32>} : memref<640x32xf32, #tpu.memory_space<vmem>>, vector<1x16xf32>,
        %get3A_263 = vector.shape_cast %get3A_262 : vector<1x16xf32> to vector<16xf32>
        %add3A_264 = arith.addf %add3A_250, %get3A_263 : vector<16xf32>
        %add3A_265 = arith.constant 5 : i32
        %add3A_266 = arith.addi %mul3A_201, %add3A_265 : i32
        %get3A_267 = arith.index_cast %add3A_266 : i32 to index
        %get3A_268 = arith.constant 0 : index
        %get3A_269 = tpu.vector_load %arg8[%get3A_267, %get3A_268] {strides = array<i32>} : memref<640x32xf32, #tpu.memory_space<vmem>>, vector<1x16xf32>,
        %get3A_270 = vector.shape_cast %get3A_269 : vector<1x16xf32> to vector<16xf32>
        %add3A_271 = arith.addf %add3A_257, %get3A_270 : vector<16xf32>
        %add3A_272 = arith.constant 5 : i32
        %add3A_273 = arith.addi %mul3A_201, %add3A_272 : i32
        %get3A_274 = arith.index_cast %add3A_273 : i32 to index
        %get3A_275 = arith.constant 16 : index
        %get3A_276 = tpu.vector_load %arg8[%get3A_274, %get3A_275] {strides = array<i32>} : memref<640x32xf32, #tpu.memory_space<vmem>>, vector<1x16xf32>,
        %get3A_277 = vector.shape_cast %get3A_276 : vector<1x16xf32> to vector<16xf32>
        %add3A_278 = arith.addf %add3A_264, %get3A_277 : vector<16xf32>
        %add3A_279 = arith.constant 6 : i32
        %add3A_280 = arith.addi %mul3A_201, %add3A_279 : i32
        %get3A_281 = arith.index_cast %add3A_280 : i32 to index
        %get3A_282 = arith.constant 0 : index
        %get3A_283 = tpu.vector_load %arg8[%get3A_281, %get3A_282] {strides = array<i32>} : memref<640x32xf32, #tpu.memory_space<vmem>>, vector<1x16xf32>,
        %get3A_284 = vector.shape_cast %get3A_283 : vector<1x16xf32> to vector<16xf32>
        %add3A_285 = arith.addf %add3A_271, %get3A_284 : vector<16xf32>
        %add3A_286 = arith.constant 6 : i32
        %add3A_287 = arith.addi %mul3A_201, %add3A_286 : i32
        %get3A_288 = arith.index_cast %add3A_287 : i32 to index
        %get3A_289 = arith.constant 16 : index
        %get3A_290 = tpu.vector_load %arg8[%get3A_288, %get3A_289] {strides = array<i32>} : memref<640x32xf32, #tpu.memory_space<vmem>>, vector<1x16xf32>,
        %get3A_291 = vector.shape_cast %get3A_290 : vector<1x16xf32> to vector<16xf32>
        %add3A_292 = arith.addf %add3A_278, %get3A_291 : vector<16xf32>
        %add3A_293 = arith.constant 7 : i32
        %add3A_294 = arith.addi %mul3A_201, %add3A_293 : i32
        %get3A_295 = arith.index_cast %add3A_294 : i32 to index
        %get3A_296 = arith.constant 0 : index
        %get3A_297 = tpu.vector_load %arg8[%get3A_295, %get3A_296] {strides = array<i32>} : memref<640x32xf32, #tpu.memory_space<vmem>>, vector<1x16xf32>,
        %get3A_298 = vector.shape_cast %get3A_297 : vector<1x16xf32> to vector<16xf32>
        %add3A_299 = arith.addf %add3A_285, %get3A_298 : vector<16xf32>
        %add3A_300 = arith.constant 7 : i32
        %add3A_301 = arith.addi %mul3A_201, %add3A_300 : i32
        %get3A_302 = arith.index_cast %add3A_301 : i32 to index
        %get3A_303 = arith.constant 16 : index
        %get3A_304 = tpu.vector_load %arg8[%get3A_302, %get3A_303] {strides = array<i32>} : memref<640x32xf32, #tpu.memory_space<vmem>>, vector<1x16xf32>,
        %get3A_305 = vector.shape_cast %get3A_304 : vector<1x16xf32> to vector<16xf32>
        %add3A_306 = arith.addf %add3A_292, %get3A_305 : vector<16xf32>
        %add3A_307 = arith.constant 8 : i32
        %add3A_308 = arith.addi %mul3A_201, %add3A_307 : i32
        %get3A_309 = arith.index_cast %add3A_308 : i32 to index
        %get3A_310 = arith.constant 0 : index
        %get3A_311 = tpu.vector_load %arg8[%get3A_309, %get3A_310] {strides = array<i32>} : memref<640x32xf32, #tpu.memory_space<vmem>>, vector<1x16xf32>,
        %get3A_312 = vector.shape_cast %get3A_311 : vector<1x16xf32> to vector<16xf32>
        %add3A_313 = arith.addf %add3A_299, %get3A_312 : vector<16xf32>
        %add3A_314 = arith.constant 8 : i32
        %add3A_315 = arith.addi %mul3A_201, %add3A_314 : i32
        %get3A_316 = arith.index_cast %add3A_315 : i32 to index
        %get3A_317 = arith.constant 16 : index
        %get3A_318 = tpu.vector_load %arg8[%get3A_316, %get3A_317] {strides = array<i32>} : memref<640x32xf32, #tpu.memory_space<vmem>>, vector<1x16xf32>,
        %get3A_319 = vector.shape_cast %get3A_318 : vector<1x16xf32> to vector<16xf32>
        %add3A_320 = arith.addf %add3A_306, %get3A_319 : vector<16xf32>
        %add3A_321 = arith.constant 9 : i32
        %add3A_322 = arith.addi %mul3A_201, %add3A_321 : i32
        %get3A_323 = arith.index_cast %add3A_322 : i32 to index
        %get3A_324 = arith.constant 0 : index
        %get3A_325 = tpu.vector_load %arg8[%get3A_323, %get3A_324] {strides = array<i32>} : memref<640x32xf32, #tpu.memory_space<vmem>>, vector<1x16xf32>,
        %get3A_326 = vector.shape_cast %get3A_325 : vector<1x16xf32> to vector<16xf32>
        %add3A_327 = arith.addf %add3A_313, %get3A_326 : vector<16xf32>
        %add3A_328 = arith.constant 9 : i32
        %add3A_329 = arith.addi %mul3A_201, %add3A_328 : i32
        %get3A_330 = arith.index_cast %add3A_329 : i32 to index
        %get3A_331 = arith.constant 16 : index
        %get3A_332 = tpu.vector_load %arg8[%get3A_330, %get3A_331] {strides = array<i32>} : memref<640x32xf32, #tpu.memory_space<vmem>>, vector<1x16xf32>,
        %get3A_333 = vector.shape_cast %get3A_332 : vector<1x16xf32> to vector<16xf32>
        %add3A_334 = arith.addf %add3A_320, %get3A_333 : vector<16xf32>
        %add3A_335 = arith.constant 10 : i32
        %add3A_336 = arith.addi %mul3A_201, %add3A_335 : i32
        %get3A_337 = arith.index_cast %add3A_336 : i32 to index
        %get3A_338 = arith.constant 0 : index
        %get3A_339 = tpu.vector_load %arg8[%get3A_337, %get3A_338] {strides = array<i32>} : memref<640x32xf32, #tpu.memory_space<vmem>>, vector<1x16xf32>,
        %get3A_340 = vector.shape_cast %get3A_339 : vector<1x16xf32> to vector<16xf32>
        %add3A_341 = arith.addf %add3A_327, %get3A_340 : vector<16xf32>
        %add3A_342 = arith.constant 10 : i32
        %add3A_343 = arith.addi %mul3A_201, %add3A_342 : i32
        %get3A_344 = arith.index_cast %add3A_343 : i32 to index
        %get3A_345 = arith.constant 16 : index
        %get3A_346 = tpu.vector_load %arg8[%get3A_344, %get3A_345] {strides = array<i32>} : memref<640x32xf32, #tpu.memory_space<vmem>>, vector<1x16xf32>,
        %get3A_347 = vector.shape_cast %get3A_346 : vector<1x16xf32> to vector<16xf32>
        %add3A_348 = arith.addf %add3A_334, %get3A_347 : vector<16xf32>
        %add3A_349 = arith.constant 11 : i32
        %add3A_350 = arith.addi %mul3A_201, %add3A_349 : i32
        %get3A_351 = arith.index_cast %add3A_350 : i32 to index
        %get3A_352 = arith.constant 0 : index
        %get3A_353 = tpu.vector_load %arg8[%get3A_351, %get3A_352] {strides = array<i32>} : memref<640x32xf32, #tpu.memory_space<vmem>>, vector<1x16xf32>,
        %get3A_354 = vector.shape_cast %get3A_353 : vector<1x16xf32> to vector<16xf32>
        %add3A_355 = arith.addf %add3A_341, %get3A_354 : vector<16xf32>
        %add3A_356 = arith.constant 11 : i32
        %add3A_357 = arith.addi %mul3A_201, %add3A_356 : i32
        %get3A_358 = arith.index_cast %add3A_357 : i32 to index
        %get3A_359 = arith.constant 16 : index
        %get3A_360 = tpu.vector_load %arg8[%get3A_358, %get3A_359] {strides = array<i32>} : memref<640x32xf32, #tpu.memory_space<vmem>>, vector<1x16xf32>,
        %get3A_361 = vector.shape_cast %get3A_360 : vector<1x16xf32> to vector<16xf32>
        %add3A_362 = arith.addf %add3A_348, %get3A_361 : vector<16xf32>
        %add3A_363 = arith.constant 12 : i32
        %add3A_364 = arith.addi %mul3A_201, %add3A_363 : i32
        %get3A_365 = arith.index_cast %add3A_364 : i32 to index
        %get3A_366 = arith.constant 0 : index
        %get3A_367 = tpu.vector_load %arg8[%get3A_365, %get3A_366] {strides = array<i32>} : memref<640x32xf32, #tpu.memory_space<vmem>>, vector<1x16xf32>,
        %get3A_368 = vector.shape_cast %get3A_367 : vector<1x16xf32> to vector<16xf32>
        %add3A_369 = arith.addf %add3A_355, %get3A_368 : vector<16xf32>
        %add3A_370 = arith.constant 12 : i32
        %add3A_371 = arith.addi %mul3A_201, %add3A_370 : i32
        %get3A_372 = arith.index_cast %add3A_371 : i32 to index
        %get3A_373 = arith.constant 16 : index
        %get3A_374 = tpu.vector_load %arg8[%get3A_372, %get3A_373] {strides = array<i32>} : memref<640x32xf32, #tpu.memory_space<vmem>>, vector<1x16xf32>,
        %get3A_375 = vector.shape_cast %get3A_374 : vector<1x16xf32> to vector<16xf32>
        %add3A_376 = arith.addf %add3A_362, %get3A_375 : vector<16xf32>
        %add3A_377 = arith.constant 13 : i32
        %add3A_378 = arith.addi %mul3A_201, %add3A_377 : i32
        %get3A_379 = arith.index_cast %add3A_378 : i32 to index
        %get3A_380 = arith.constant 0 : index
        %get3A_381 = tpu.vector_load %arg8[%get3A_379, %get3A_380] {strides = array<i32>} : memref<640x32xf32, #tpu.memory_space<vmem>>, vector<1x16xf32>,
        %get3A_382 = vector.shape_cast %get3A_381 : vector<1x16xf32> to vector<16xf32>
        %add3A_383 = arith.addf %add3A_369, %get3A_382 : vector<16xf32>
        %add3A_384 = arith.constant 13 : i32
        %add3A_385 = arith.addi %mul3A_201, %add3A_384 : i32
        %get3A_386 = arith.index_cast %add3A_385 : i32 to index
        %get3A_387 = arith.constant 16 : index
        %get3A_388 = tpu.vector_load %arg8[%get3A_386, %get3A_387] {strides = array<i32>} : memref<640x32xf32, #tpu.memory_space<vmem>>, vector<1x16xf32>,
        %get3A_389 = vector.shape_cast %get3A_388 : vector<1x16xf32> to vector<16xf32>
        %add3A_390 = arith.addf %add3A_376, %get3A_389 : vector<16xf32>
        %add3A_391 = arith.constant 14 : i32
        %add3A_392 = arith.addi %mul3A_201, %add3A_391 : i32
        %get3A_393 = arith.index_cast %add3A_392 : i32 to index
        %get3A_394 = arith.constant 0 : index
        %get3A_395 = tpu.vector_load %arg8[%get3A_393, %get3A_394] {strides = array<i32>} : memref<640x32xf32, #tpu.memory_space<vmem>>, vector<1x16xf32>,
        %get3A_396 = vector.shape_cast %get3A_395 : vector<1x16xf32> to vector<16xf32>
        %add3A_397 = arith.addf %add3A_383, %get3A_396 : vector<16xf32>
        %add3A_398 = arith.constant 14 : i32
        %add3A_399 = arith.addi %mul3A_201, %add3A_398 : i32
        %get3A_400 = arith.index_cast %add3A_399 : i32 to index
        %get3A_401 = arith.constant 16 : index
        %get3A_402 = tpu.vector_load %arg8[%get3A_400, %get3A_401] {strides = array<i32>} : memref<640x32xf32, #tpu.memory_space<vmem>>, vector<1x16xf32>,
        %get3A_403 = vector.shape_cast %get3A_402 : vector<1x16xf32> to vector<16xf32>
        %add3A_404 = arith.addf %add3A_390, %get3A_403 : vector<16xf32>
        %add3A_405 = arith.constant 15 : i32
        %add3A_406 = arith.addi %mul3A_201, %add3A_405 : i32
        %get3A_407 = arith.index_cast %add3A_406 : i32 to index
        %get3A_408 = arith.constant 0 : index
        %get3A_409 = tpu.vector_load %arg8[%get3A_407, %get3A_408] {strides = array<i32>} : memref<640x32xf32, #tpu.memory_space<vmem>>, vector<1x16xf32>,
        %get3A_410 = vector.shape_cast %get3A_409 : vector<1x16xf32> to vector<16xf32>
        %add3A_411 = arith.addf %add3A_397, %get3A_410 : vector<16xf32>
        %add3A_412 = arith.constant 15 : i32
        %add3A_413 = arith.addi %mul3A_201, %add3A_412 : i32
        %get3A_414 = arith.index_cast %add3A_413 : i32 to index
        %get3A_415 = arith.constant 16 : index
        %get3A_416 = tpu.vector_load %arg8[%get3A_414, %get3A_415] {strides = array<i32>} : memref<640x32xf32, #tpu.memory_space<vmem>>, vector<1x16xf32>,
        %get3A_417 = vector.shape_cast %get3A_416 : vector<1x16xf32> to vector<16xf32>
        %add3A_418 = arith.addf %add3A_404, %get3A_417 : vector<16xf32>
        %add3A_419 = arith.constant 16 : i32
        %add3A_420 = arith.addi %mul3A_201, %add3A_419 : i32
        %get3A_421 = arith.index_cast %add3A_420 : i32 to index
        %get3A_422 = arith.constant 0 : index
        %get3A_423 = tpu.vector_load %arg8[%get3A_421, %get3A_422] {strides = array<i32>} : memref<640x32xf32, #tpu.memory_space<vmem>>, vector<1x16xf32>,
        %get3A_424 = vector.shape_cast %get3A_423 : vector<1x16xf32> to vector<16xf32>
        %add3A_425 = arith.addf %add3A_411, %get3A_424 : vector<16xf32>
        %add3A_426 = arith.constant 16 : i32
        %add3A_427 = arith.addi %mul3A_201, %add3A_426 : i32
        %get3A_428 = arith.index_cast %add3A_427 : i32 to index
        %get3A_429 = arith.constant 16 : index
        %get3A_430 = tpu.vector_load %arg8[%get3A_428, %get3A_429] {strides = array<i32>} : memref<640x32xf32, #tpu.memory_space<vmem>>, vector<1x16xf32>,
        %get3A_431 = vector.shape_cast %get3A_430 : vector<1x16xf32> to vector<16xf32>
        %add3A_432 = arith.addf %add3A_418, %get3A_431 : vector<16xf32>
        %add3A_433 = arith.constant 17 : i32
        %add3A_434 = arith.addi %mul3A_201, %add3A_433 : i32
        %get3A_435 = arith.index_cast %add3A_434 : i32 to index
        %get3A_436 = arith.constant 0 : index
        %get3A_437 = tpu.vector_load %arg8[%get3A_435, %get3A_436] {strides = array<i32>} : memref<640x32xf32, #tpu.memory_space<vmem>>, vector<1x16xf32>,
        %get3A_438 = vector.shape_cast %get3A_437 : vector<1x16xf32> to vector<16xf32>
        %add3A_439 = arith.addf %add3A_425, %get3A_438 : vector<16xf32>
        %add3A_440 = arith.constant 17 : i32
        %add3A_441 = arith.addi %mul3A_201, %add3A_440 : i32
        %get3A_442 = arith.index_cast %add3A_441 : i32 to index
        %get3A_443 = arith.constant 16 : index
        %get3A_444 = tpu.vector_load %arg8[%get3A_442, %get3A_443] {strides = array<i32>} : memref<640x32xf32, #tpu.memory_space<vmem>>, vector<1x16xf32>,
        %get3A_445 = vector.shape_cast %get3A_444 : vector<1x16xf32> to vector<16xf32>
        %add3A_446 = arith.addf %add3A_432, %get3A_445 : vector<16xf32>
        %add3A_447 = arith.constant 18 : i32
        %add3A_448 = arith.addi %mul3A_201, %add3A_447 : i32
        %get3A_449 = arith.index_cast %add3A_448 : i32 to index
        %get3A_450 = arith.constant 0 : index
        %get3A_451 = tpu.vector_load %arg8[%get3A_449, %get3A_450] {strides = array<i32>} : memref<640x32xf32, #tpu.memory_space<vmem>>, vector<1x16xf32>,
        %get3A_452 = vector.shape_cast %get3A_451 : vector<1x16xf32> to vector<16xf32>
        %add3A_453 = arith.addf %add3A_439, %get3A_452 : vector<16xf32>
        %add3A_454 = arith.constant 18 : i32
        %add3A_455 = arith.addi %mul3A_201, %add3A_454 : i32
        %get3A_456 = arith.index_cast %add3A_455 : i32 to index
        %get3A_457 = arith.constant 16 : index
        %get3A_458 = tpu.vector_load %arg8[%get3A_456, %get3A_457] {strides = array<i32>} : memref<640x32xf32, #tpu.memory_space<vmem>>, vector<1x16xf32>,
        %get3A_459 = vector.shape_cast %get3A_458 : vector<1x16xf32> to vector<16xf32>
        %add3A_460 = arith.addf %add3A_446, %get3A_459 : vector<16xf32>
        %add3A_461 = arith.constant 19 : i32
        %add3A_462 = arith.addi %mul3A_201, %add3A_461 : i32
        %get3A_463 = arith.index_cast %add3A_462 : i32 to index
        %get3A_464 = arith.constant 0 : index
        %get3A_465 = tpu.vector_load %arg8[%get3A_463, %get3A_464] {strides = array<i32>} : memref<640x32xf32, #tpu.memory_space<vmem>>, vector<1x16xf32>,
        %get3A_466 = vector.shape_cast %get3A_465 : vector<1x16xf32> to vector<16xf32>
        %add3A_467 = arith.addf %add3A_453, %get3A_466 : vector<16xf32>
        %add3A_468 = arith.constant 19 : i32
        %add3A_469 = arith.addi %mul3A_201, %add3A_468 : i32
        %get3A_470 = arith.index_cast %add3A_469 : i32 to index
        %get3A_471 = arith.constant 16 : index
        %get3A_472 = tpu.vector_load %arg8[%get3A_470, %get3A_471] {strides = array<i32>} : memref<640x32xf32, #tpu.memory_space<vmem>>, vector<1x16xf32>,
        %get3A_473 = vector.shape_cast %get3A_472 : vector<1x16xf32> to vector<16xf32>
        %add3A_474 = arith.addf %add3A_460, %get3A_473 : vector<16xf32>
        %mul3A_475 = arith.constant 32 : i32
        %mul3A_476 = arith.muli %select_n3A_163, %mul3A_475 : i32
        %swap3A = arith.index_cast %scan3A_199 : i32 to index
        %swap3A_477 = arith.index_cast %mul3A_476 : i32 to index
        %swap3A_478 = tpu.vector_load %arg9[%swap3A, %swap3A_477] {strides = array<i32>} : memref<32x416xf32, #tpu.memory_space<vmem>>, vector<1x16xf32>,
        %swap3A_479 = vector.shape_cast %swap3A_478 : vector<1x16xf32> to vector<16xf32>
        %swap3A_480 = vector.shape_cast %add3A_467 : vector<16xf32> to vector<1x16xf32>
        tpu.vector_store %arg9[%swap3A, %swap3A_477], %swap3A_480 {strides = array<i32>} : memref<32x416xf32, #tpu.memory_space<vmem>>, vector<1x16xf32>,
        %mul3A_481 = arith.constant 32 : i32
        %mul3A_482 = arith.muli %select_n3A_163, %mul3A_481 : i32
        %add3A_483 = arith.constant 16 : i32
        %add3A_484 = arith.addi %mul3A_482, %add3A_483 : i32
        %swap3A_485 = arith.index_cast %scan3A_199 : i32 to index
        %swap3A_486 = arith.index_cast %add3A_484 : i32 to index
        %swap3A_487 = tpu.vector_load %arg9[%swap3A_485, %swap3A_486] {strides = array<i32>} : memref<32x416xf32, #tpu.memory_space<vmem>>, vector<1x16xf32>,
        %swap3A_488 = vector.shape_cast %swap3A_487 : vector<1x16xf32> to vector<16xf32>
        %swap3A_489 = vector.shape_cast %add3A_474 : vector<16xf32> to vector<1x16xf32>
        tpu.vector_store %arg9[%swap3A_485, %swap3A_486], %swap3A_489 {strides = array<i32>} : memref<32x416xf32, #tpu.memory_space<vmem>>, vector<1x16xf32>,
      }
      %scan3A_193 = arith.constant 32 : i32
      %eq3A_194 = arith.constant 12 : i32
      %eq3A_195 = arith.cmpi eq, %select_n3A_163, %eq3A_194 : i32
      %convert_element_type3A_196 = arith.extui %eq3A_195 : i1 to i32
      %cond3A_197 = arith.constant 0 : i32
      %cond3A_198 = arith.cmpi ne, %convert_element_type3A_196, %cond3A_197 : i32
      scf.if %cond3A_198 {
        %mul3A_199 = arith.constant 128 : i32
        %mul3A_200 = arith.muli %add3A, %mul3A_199 : i32
        %mul3A_201 = arith.constant 32 : i32
        %mul3A_202 = arith.muli %select_n3A_187, %mul3A_201 : i32
        %add3A_203 = arith.addi %mul3A_200, %mul3A_202 : i32
        "tpu.region"() ({
          %run_scoped3A = tpu.sem_alloc : memref<!tpu.dma_semaphore, #tpu.memory_space<semaphore_mem>>
          %dma_start3A_204 = arith.constant 0 : i32
          %dma_start3A_205 = tpu.memref_slice %arg4[%add3A_203, %dma_start3A_204] : memref<4096x416xf32, #tpu.memory_space<hbm>> -> memref<32x416xf32, #tpu.memory_space<hbm>>
          %dma_start3A_206 = arith.constant 0 : i32
          %dma_start3A_207 = tpu.memref_slice %arg4[%add3A_203, %dma_start3A_206] : memref<4096x416xf32, #tpu.memory_space<hbm>> -> memref<32x416xf32, #tpu.memory_space<hbm>>
          tpu.enqueue_dma source(%arg9 : memref<32x416xf32, #tpu.memory_space<vmem>>) target(%dma_start3A_207 : memref<32x416xf32, #tpu.memory_space<hbm>>) target_semaphore(%run_scoped3A : memref<!tpu.dma_semaphore, #tpu.memory_space<semaphore_mem>>)
          %dma_wait3A_208 = arith.constant 0 : i32
          %dma_wait3A_209 = tpu.memref_slice %arg4[%add3A_203, %dma_wait3A_208] : memref<4096x416xf32, #tpu.memory_space<hbm>> -> memref<32x416xf32, #tpu.memory_space<hbm>>
          %dma_wait3A_210 = arith.constant 0 : i32
          %dma_wait3A_211 = tpu.memref_slice %arg4[%add3A_203, %dma_wait3A_210] : memref<4096x416xf32, #tpu.memory_space<hbm>> -> memref<32x416xf32, #tpu.memory_space<hbm>>
          tpu.wait_dma2 semaphore(%run_scoped3A : memref<!tpu.dma_semaphore, #tpu.memory_space<semaphore_mem>>) src(%arg9 : memref<32x416xf32, #tpu.memory_space<vmem>>) dst(%dma_wait3A_211 : memref<32x416xf32, #tpu.memory_space<hbm>>)
          tpu.yield
        }) : () -> ()
      } else {
      }
    }
    %scan3A_26 = arith.constant 26 : i32
    return
  }
}

</mosaic_0001>

<sc_bundles>
// kernel: _ebc_lookup.3.cloned.1.call-start
scs
__scs_entry_jumppad:
0x0: {  	(pc) =	sbr.rel $0x88, $3  }
0x1: {  	(tag) =	ssettag $0x0;
	lr =	simm.s32 $0x1  }
0x2: {  	[smem:$0x3F9F] =	sst lr;
	_ =	strace $0xD0000000  }
0x3: {  	_ = 	snop  }
0x4: {  	_ = 	snop  }
0x5: {  	_ = 	snop  }
0x6: {  	_ = 	snop  }
0x7: {  	_ = 	snop  }
__scs_overlays_trampoline_lowered:
0x8: {  	[smem:$0x3FAE] =	sst s0  }
0x9: {  	[smem:$0x3FAF] =	sst s1  }
0xa: {  	[smem:$0x3FB0] =	sst s2  }
0xb: {  	[smem:$0x3FB1] =	sst s3  }
0xc: {  	[smem:$0x3FB2] =	sst s4  }
0xd: {  	[smem:$0x3FB3] =	sst s5  }
0xe: {  	[smem:$0x3FB4] =	sst s6  }
0xf: {  	[smem:$0x3FB5] =	sst s7  }
0x10: {  	[smem:$0x3FB6] =	sst s8  }
0x11: {  	[smem:$0x3FB7] =	sst s9;
	s0 =	simm.s32 @!p0 $0x0  }
0x12: {  	s1 =	sld [smem:$0x3F9D];
	s0 =	simm.s32 @p0 $0x1  }
0x13: {  	[smem:$0x3FB8] =	sst s0;
	s0 =	simm.s32 @!p1 $0x0  }
0x14: {  	s2 =	sld [smem:$0x3F9C];
	s0 =	simm.s32 @p1 $0x1  }
0x15: {  	[smem:$0x3FB9] =	sst s0;
	s0 =	simm.s32 @!p2 $0x0  }
0x16: {  	s3 =	sld [smem:$0x3FDB];
	s0 =	simm.s32 @p2 $0x1  }
0x17: {  	s4 =	simm.s32 $0x1BF5;
	[smem:$0x3FBB] =	sst s0  }
0x18: {  	s0 =	sld [smem:$0x3F9E];
	_ =	swait.ge [sflag:s4], $0x0  }
0x19: {  	s7 =	sld [smem:$0x3F9F]  }
0x1a: {  	s8 =	sadd.s32 $0xFFFFE003, lr  }
0x1b: {  	s9 =	sadd.s32 $0xFFFFFEF7, lr;
	s5 =	simm.s32 $0xFFFFFFFF;
	p2 =	slt.u32 s8, $0xFFFFF086  }
0x1c: {  	p1 =	slt.u32 s9, $0xF7A;
	s5 =	simm.s32 @!p2 $0x0  }
0x1d: {  	s5 =	simm.s32 @p1 $0x1;
	p0 =	seq.s32 s7, s2  }
0x1e: {  	s7 =	smul.u32 @!p0 $0xF7A, s2;
	p2 =	seq.s32 @!p0 s5, $0x0  }
0x1f: {  	s9 =	smul.u32 $0xF7A, s1;
	s8 =	simm.s32 @!p0 $0x1BF5;
	p2 =	por !p2, p0  }
0x20: {  	[sflag:s8] =	ssyncset.s32 @!p0 $0xFFFFF086;
	s6 =	sadd.s32 @!p0 s3, s7;
	s7 =	simm.s32 @!p0 $0x108  }
0x21: {  	s3 =	sadd.s32 s3, s9;
	s6 =	sadd.s32 @!p0 $0x88, s6;
	s7 =	simm.s32 @p2 $0x1082  }
0x22: {  	[simem:s7], [sflag:s8] =	dma.local @!p0 [hbm:s6], $0xF7A  }
0x23: {  	s9 =	sor.u32 $0xD0000000, s2;
	s6 =	simm.s32 $0x108;
	_ =	swait.ge @!p0 [sflag:s8], $0x0  }
0x24: {  	s3 =	sadd.s32 $0x88, s3;
	s6 =	simm.s32 @!p1 $0x1082;
	[sflag:s4] =	ssyncset.s32 $0xFFFFF086  }
0x25: {  	[simem:s6], [sflag:s4] =	dma.local [hbm:s3], $0xF7A  }
0x26: {  	[smem:$0x3F9F] =	sst s1;
	(tag) =	ssettag s2;
	_ =	strace s9  }
0x27: {  	s1 =	sld [smem:$0x3FAF]  }
0x28: {  	s2 =	sld [smem:$0x3FB0]  }
0x29: {  	s4 =	sld [smem:$0x3FB2]  }
0x2a: {  	p0 =	seq.s32 s5, $0x0;
	s5 =	sld [smem:$0x3FB3]  }
0x2b: {  	s6 =	sld [smem:$0x3FB4]  }
0x2c: {  	s7 =	sld [smem:$0x3FB5]  }
0x2d: {  	s3 =	simm.s32 $0x108;
	s8 =	sld [smem:$0x3FB6]  }
0x2e: {  	s3 =	simm.s32 @!p0 $0x1082;
	s9 =	sld [smem:$0x3FB7]  }
0x2f: {  	lr =	sadd.s32 s0, s3;
	s0 =	sld [smem:$0x3FAE]  }
0x30: {  	s3 =	sld [smem:$0x3FB1]  }
0x31: {  	[smem:$0x3FBA] =	sst s10  }
0x32: {  	s10 =	sld [smem:$0x3FB8];
	_ =	sdelay $0x3  }
0x33: {  	p0 =	seq.s32 s10, $0x1;
	s10 =	sld [smem:$0x3FBA];
	_ =	sdelay $0x3  }
0x34: {  	[smem:$0x3FBA] =	sst s10  }
0x35: {  	s10 =	sld [smem:$0x3FB9];
	_ =	sdelay $0x3  }
0x36: {  	p1 =	seq.s32 s10, $0x1;
	s10 =	sld [smem:$0x3FBA];
	_ =	sdelay $0x3  }
0x37: {  	[smem:$0x3FBA] =	sst s10  }
0x38: {  	s10 =	sld [smem:$0x3FBB]  }
0x39: {  	_ = 	snop;
	(pc) =	sbr.ind lr, $3  }
0x3a: {  	_ = 	snop  }
0x3b: {  	_ = 	snop  }
0x3c: {  	p2 =	seq.s32 s10, $0x1;
	s10 =	sld [smem:$0x3FBA]  }
0x3d: {  	_ =	shalt  }
0x3e: {  	_ =	shalt  }
0x3f: {  	_ =	shalt  }
0x40: {  	_ =	shalt  }
0x41: {  	_ =	shalt  }
0x42: {  	_ =	shalt  }
0x43: {  	_ =	shalt  }
0x44: {  	_ =	shalt  }
0x45: {  	_ =	shalt  }
0x46: {  	_ =	shalt  }
0x47: {  	_ =	shalt  }
0x48: {  	_ =	shalt  }
0x49: {  	_ =	shalt  }
0x4a: {  	_ =	shalt  }
0x4b: {  	_ =	shalt  }
0x4c: {  	_ =	shalt  }
0x4d: {  	_ =	shalt  }
0x4e: {  	_ =	shalt  }
0x4f: {  	_ =	shalt  }
0x50: {  	_ =	shalt  }
0x51: {  	_ =	shalt  }
0x52: {  	_ =	shalt  }
0x53: {  	_ =	shalt  }
0x54: {  	_ =	shalt  }
0x55: {  	_ =	shalt  }
0x56: {  	_ =	shalt  }
0x57: {  	_ =	shalt  }
0x58: {  	_ =	shalt  }
0x59: {  	_ =	shalt  }
0x5a: {  	_ =	shalt  }
0x5b: {  	_ =	shalt  }
0x5c: {  	_ =	shalt  }
0x5d: {  	_ =	shalt  }
0x5e: {  	_ =	shalt  }
0x5f: {  	_ =	shalt  }
0x60: {  	_ =	shalt  }
0x61: {  	_ =	shalt  }
0x62: {  	_ =	shalt  }
0x63: {  	_ =	shalt  }
0x64: {  	_ =	shalt  }
0x65: {  	_ =	shalt  }
0x66: {  	_ =	shalt  }
0x67: {  	_ =	shalt  }
0x68: {  	_ =	shalt  }
0x69: {  	_ =	shalt  }
0x6a: {  	_ =	shalt  }
0x6b: {  	_ =	shalt  }
0x6c: {  	_ =	shalt  }
0x6d: {  	_ =	shalt  }
0x6e: {  	_ =	shalt  }
0x6f: {  	_ =	shalt  }
0x70: {  	_ =	shalt  }
0x71: {  	_ =	shalt  }
0x72: {  	_ =	shalt  }
0x73: {  	_ =	shalt  }
0x74: {  	_ =	shalt  }
0x75: {  	_ =	shalt  }
0x76: {  	_ =	shalt  }
0x77: {  	_ =	shalt  }
0x78: {  	_ =	shalt  }
0x79: {  	_ =	shalt  }
0x7a: {  	_ =	shalt  }
0x7b: {  	_ =	shalt  }
0x7c: {  	_ =	shalt  }
0x7d: {  	_ =	shalt  }
0x7e: {  	_ =	shalt  }
0x7f: {  	_ =	shalt  }
0x80: {  	_ =	shalt  }
0x81: {  	_ =	shalt  }
0x82: {  	_ =	shalt  }
0x83: {  	_ =	shalt  }
0x84: {  	_ =	shalt  }
0x85: {  	_ =	shalt  }
0x86: {  	_ =	shalt  }
0x87: {  	_ =	shalt  }
.Lfunc_end0:
.L_simem_size_0:
called_computation_lowered:
.L_overlay_start_0:
0x88: {  	s2 =	sld [smem:$0x3FD9]  }
0x89: {  	s3 =	sld [smem:$0x3FFE];
	_ =	sdelay $0x1  }
0x8a: {  	s1 =	srdreg.scid  }
0x8b: {  	s0 =	sand.u32 $0x1, s1  }
0x8c: {  	s17 =	sshll.u32 s0, $0xA;
	s2 =	sadd.s32 s3, s2  }
0x8d: {  	s2 =	sadd.s32 s2, s17  }
0x8e: {  	[smem:$0x3FC6] =	sst s2  }
0x8f: {  	_ = 	snop  }
0x90: {  	s2 =	sld [smem:$0x3FC9]  }
0x91: {  	s18 =	sld [smem:$0x3FD0];
	(tm) =	ssettm $0x1  }
0x92: {  	s4 =	sld [smem:$0x3FFB];
	_ =	sdelay $0x3  }
0x93: {  	_ =	strace s4  }
0x94: {  	s4 =	sld [smem:$0x3FFC];
	_ =	sdelay $0x3  }
0x95: {  	_ =	strace s4  }
0x96: {  	s4 =	sld [smem:$0x3FFD];
	_ =	sdelay $0x3  }
0x97: {  	_ =	strace s4  }
0x98: {  	_ =	strace $0x8FFFFFFF  }
0x99: {  	s19 =	sld [smem:$0x3FDB];
	_ =	sdelay $0x1  }
0x9a: {  	s5 =	simm.s32 $_scs_section_size  }
0x9b: {  	s6 =	simm.s32 $_size__tile_overlayer_lowered;
	s7 =	simm.s32 $_tile_overlayer_lowered  }
0x9c: {  	s22 =	simm.s32 $0x1BFF;
	s21 =	sshll.u32 s7, $0x1;
	s4 =	sadd.s32 s5, s19  }
0x9d: {  	s8 =	simm.s32 $0x0;
	s20 =	sshll.u32 s6, $0x1;
	s6 =	sadd.s32 s21, s4  }
0x9e: {  	[timem:s8], [sflag:s22] =	dma.local [hbm:s6], s20  }
0x9f: {  	_ =	swait.ge [sflag:s22], s20  }
0xa0: {  	s5 =	ssub.s32 $0x0, s20;
	[sflag:s22] =	ssyncset.done $0x0  }
0xa1: {  	[sflag:s22] =	ssyncadd.s32 s5;
	_ =	sdelay $0x1  }
0xa2: {  	s23 =	simm.s32 $0x1B8B  }
0xa3: {  	_ =	swait.ge [sflag:s23], $0x1  }
0xa4: {  	[sflag:s23] =	ssyncset.done $0x0  }
0xa5: {  	s25 =	simm.s32 $0x1B8E;
	s24 =	sld [smem:$0x3FFE];
	[sflag:s23] =	ssyncadd.s32 $0xFFFFFFFF  }
0xa6: {  	s26 =	simm.s32 $execute0_lowered;
	[smem:$0x3FD2] =	sst s25  }
0xa7: {  	s6 =	sshll.u32 s26, $0x1;
	_ =	strace $0x80000046;
	[dreg:$0x1] =	wrdreg $0xFFFFFFFF  }
0xa8: {  	s28 =	simm.s32 $_size_execute0_lowered;
	s4 =	sadd.s32 s4, s6;
	[dreg:$0x0] =	wrdreg $0x0  }
0xa9: {  	s6 =	sshll.u32 s28, $0x1;
	[dreg:$0x2] =	wrdreg s4  }
0xaa: {  	[dreg:$0x3] =	wrdreg s6  }
0xab: {  	[dreg:$0x4] =	wrdreg $0xC0  }
0xac: {  	_ =	task [dreg:s8], $0x5FFFF  }
0xad: {  	[dreg:$0x1] =	wrdreg $0xFFFFFFFF  }
0xae: {  	[dreg:$0x0] =	wrdreg $0x60  }
0xaf: {  	[dreg:$0x2] =	wrdreg s2  }
0xb0: {  	[dreg:$0x3] =	wrdreg s24  }
0xb1: {  	[dreg:$0x4] =	wrdreg s18  }
0xb2: {  	[dreg:$0x5] =	wrdreg $0x9  }
0xb3: {  	_ =	task.clear_ibuf [dreg:s8], $0x6FFFF;
	_ =	strace $0x90000046  }
0xb4: {  	s29 =	simm.s32 $0x9;
	_ =	strace $0x80000048  }
0xb5: {  	_ =	swait.ge [sflag:s29], $0x1  }
0xb6: {  	[sflag:s29] =	ssyncadd.s32 $0xFFFFFFFF  }
0xb7: {  	_ =	strace $0x90000048  }
0xb8: {  	_ =	sfence  }
0xb9: {  	s30 =	sld [smem:$0x0];
	_ =	sdelay $0x2  }
0xba: {  	s31 =	sshll.u32 s1, $0xD;
	s1 =	sshrl.u32 s1, $0x2  }
0xbb: {  	s3 =	sand.u32 $0x4000, s31;
	s1 =	sadd.s32 s1, s30  }
0xbc: {  	s0 =	sor.u32 s3, s0;
	s1 =	sshll.u32 s1, $0x11  }
0xbd: {  	s0 =	sor.u32 s1, s0  }
0xbe: {  	s0 =	sadd.s32 $0x8F2B, s0  }
0xbf: {  	[sflag:s0] =	ssyncadd.remote.s32 $0x1  }
0xc0: {  	_ =	sfence.sel $0xFFFF  }
0xc1: {  	[dreg:$0x0] =	wrdreg $0xFFFFFFFF;
	(pc) =	sbr.abs _section_cstart, $3  }
0xc2: {  	[dreg:$0x1] =	wrdreg $0xFFFFFFFF  }
0xc3: {  	_ =	task.clear_ibuf [dreg:s8], $0x2FFFF;
	_ =	strace $0x9FFFFFFF  }
0xc4: {  	(tm) =	ssettm $0x7FFFFFFF  }
0xc5: {  	_ =	shalt  }
tec
execute0_lowered:
.L_overlay_start_1:
0x0: {  	(tag) =	ssettag $0x1  }
0x1: {  	s1 =	rddreg [dreg:$0x0]  }
0x2: {  	s0 =	rddreg [dreg:$0x1];
	s2 =	srdreg.scid  }
0x3: {  	s4 =	stileid.u32;
	s3 =	rddreg [dreg:$0x2]  }
0x4: {  	s12 =	simm.s32 $0x4;
	s13 =	simm.s32 $0x280;
	s15 =	simm.s32 $0x3  }
0x5: {  	s16 =	simm.s32 $0x5500;
	s2 =	sand.u32 $0x1, s2;
	s5 =	sshll.u32 s4, $0x1  }
0x6: {  	s17 =	simm.s32 $0x1;
	s4 =	simm.s32 $0x0;
	s9 =	sor.u32 s2, s5  }
0x7: {  	s18 =	simm.s32 $0x0;
	[smem:$0x7FF] =	sst s4;
	s5 =	smul.u32 $0xA00, s9  }
0x8: {  	s6 =	sadd.s32 $0x13D6600, s0;
	s29 =	ssub.s32 $0x2, s2;
	_ =	strace $0x80000047  }
0x9: {  	s8 =	sshrl.u32 s29, $0x1;
	s31 =	smul.u32 $0x1A00, s9;
	s30 =	sshrl.u32 s5, $0x3  }
0xa: {  	s9 =	sshll.u32 s9, $0x7;
	s0 =	ssub.s32 s29, s8;
	s7 =	sadd.s32 s1, s30  }
0xb: {  	s10 =	sadd.s32 s3, s31;
	s11 =	smax.u32 s0, $0x1;
	s8 =	sadd.s32 $0x2800, s7  }
.LBB2_1:
0xc: {  	[tilespmem:s4], [sflag:$0x4] =	stream.linear.gather [hbm4b:s7+s4], $0x280, $0x38;
	[tilespmem:$0xD900] =	vst v63  }
0xd: {  	_ =	swait.ge [sflag:s12], $0x280  }
0xe: {  	[sflag:s12] =	ssyncset.done $0x0  }
0xf: {  	s0 =	simm.s32 $0x500;
	s19 =	simm.s32 $0xA500;
	[sflag:s12] =	ssyncadd.s32 $0xFFFFFD80  }
0x10: {  	[tilespmem:s0], [sflag:$0x1] =	stream.indirect.gather [hbm4b:s6+s13], $0x20, s4, s13, $0xb8;
	[tilespmem:$0xD900] =	vst v63  }
0x11: {  	s20 =	simm.s32 $0x1;
	s21 =	simm.s32 $0x0;
	s22 =	simm.s32 $0x0  }
0x12: {  	[tilespmem:s13], [sflag:$0x3] =	stream.linear.gather [hbm4b:s8+s4], $0x280, $0x38;
	[tilespmem:$0xD900] =	vst v63  }
.LBB2_2:
0x13: {  	s23 =	sshllo.u32 s22, $0x1  }
0x14: {  	s25 =	sshll.u32 s22, $0x1;
	s0 =	smul.u32 $0x4F, s23  }
0x15: {  	p0 =	seq.s32 s22, $0x19;
	s26 =	sadd.s32 $0x2, s25  }
0x16: {  	s2 =	smul.u32 @!p0 $0x4F, s26;
	s0 =	sshrl.u32 s0, $0xA  }
0x17: {  	s0 =	sand.u32 $0x3F, s0  }
0x18: {  	s2 =	sshrl.u32 @!p0 s2, $0xA;
	s0 =	smul.u32 $0xD, s0  }
0x19: {  	s14 =	smulhi.u32 $0x4EC4EC4F, s20;
	s2 =	sand.u32 @!p0 $0x3F, s2  }
0x1a: {  	s28 =	smul.u32 @!p0 $0xD, s2;
	s0 =	ssub.s32 s23, s0  }
0x1b: {  	s29 =	smulhi.u32 $0x4EC4EC4F, s21;
	s24 =	sand.u32 $0xFF, s0  }
0x1c: {  	_ =	swait.ge [sflag:s15], $0x280;
	s28 =	ssub.s32 @!p0 s26, s28;
	s0 =	smul.u32 $0x61A80, s24  }
0x1d: {  	[sflag:s15] =	ssyncset.done $0x0;
	s2 =	smul.u32 @!p0 $0x280, s2;
	s28 =	sand.u32 @!p0 $0xFF, s28  }
0x1e: {  	[sflag:s15] =	ssyncadd.s32 $0xFFFFFD80;
	s28 =	smul.u32 @!p0 $0x14000, s28;
	s0 =	sadd.s32 s6, s0  }
0x1f: {  	[tilespmem:s16], [sflag:$0x2] =	stream.indirect.gather [hbm4b:s0+s13], $0x20, s13, s13, $0xb8;
	[tilespmem:$0xD900] =	vst v63  }
0x20: {  	s30 =	simm.s32 @!p0 $0x0;
	s29 =	sshrl.u32 s29, $0x2;
	s28 =	sadd.s32 @!p0 s5, s28  }
0x21: {  	s0 =	sshrl.u32 s14, $0x2;
	_ =	swait.ge [sflag:s17], $0x5000;
	s2 =	sadd.s32 @!p0 s2, s28  }
0x22: {  	s14 =	smul.u32 $0xFFFFF980, s29;
	[sflag:s17] =	ssyncset.done $0x0;
	s2 =	sshrl.u32 @!p0 s2, $0x3  }
0x23: {  	s28 =	smul.u32 $0x9E, s22;
	[sflag:s17] =	ssyncadd.s32 $0xFFFFB000;
	s2 =	sadd.s32 @!p0 s1, s2  }
0x24: {  	[tilespmem:s30], [sflag:$0x3] =	stream.linear.gather @!p0 [hbm4b:s2+s30], $0x280, $0x38;
	[tilespmem:$0xD900] =	vst v63  }
0x25: {  	s0 =	smul.u32 $0xFFFFF980, s0;
	s28 =	sshrl.u32 s28, $0xA;
	s30 =	simm.s32 $0x640  }
0x26: {  	s29 =	sand.u32 $0x3F, s28;
	v1 =	vld [tilespmem:s30+$0xFFFFFEF0]  }
0x27: {  	s0 =	sshra.s32 s0, $0x2;
	s2 =	sshra.s32 s14, $0x2;
	s31 =	smul.u32 $0xD, s29;
	v2 =	vld [tilespmem:s30+$0xFFFFFEE0]  }
0x28: {  	s28 =	sadd.s32 s0, s19;
	s14 =	sadd.s32 s2, s19;
	v3 =	vld [tilespmem:s30+$0xFFFFFEC0]  }
0x29: {  	s0 =	simm.s32 $0x6C0;
	v4 =	vld [tilespmem:s30+$0xFFFFFED0];
	v0 =	vmov s14;
	s2 =	ssub.s32 s25, s31;
	s31 =	simm.s32 $0x40  }
.LBB2_3:
0x2a: {  	p0 =	sne.s32 s0, $0xC9C0;
	v5 =	vld [tilespmem:s30+$0xFFFFFF00]  }
0x2b: {  	v6 =	vld [tilespmem:s30+$0xFFFFFF10]  }
0x2c: {  	v7 =	vld [tilespmem:s30+$0xFFFFFF20]  }
0x2d: {  	v2 =	vadd.f32 v2, v3;
	v3 =	vld [tilespmem:s30+$0xFFFFFF30]  }
0x2e: {  	v1 =	vadd.f32 v1, v4;
	v4 =	vld [tilespmem:s30+$0xFFFFFF40]  }
0x2f: {  	v2 =	vadd.f32 v5, v2;
	v5 =	vld [tilespmem:s30+$0xFFFFFF50]  }
0x30: {  	v1 =	vadd.f32 v6, v1;
	v6 =	vld [tilespmem:s30+$0xFFFFFF60]  }
0x31: {  	v2 =	vadd.f32 v7, v2;
	v7 =	vld [tilespmem:s30+$0xFFFFFF70]  }
0x32: {  	v1 =	vadd.f32 v3, v1;
	v3 =	vld [tilespmem:s30+$0xFFFFFF80]  }
0x33: {  	v2 =	vadd.f32 v4, v2;
	v4 =	vld [tilespmem:s30+$0xFFFFFF90]  }
0x34: {  	v1 =	vadd.f32 v5, v1;
	v5 =	vld [tilespmem:s30+$0xFFFFFFA0]  }
0x35: {  	v2 =	vadd.f32 v6, v2;
	v6 =	vld [tilespmem:s30+$0xFFFFFFB0]  }
0x36: {  	v1 =	vadd.f32 v7, v1;
	v7 =	vld [tilespmem:s30+$0xFFFFFFC0]  }
0x37: {  	v2 =	vadd.f32 v3, v2;
	v3 =	vld [tilespmem:s30+$0xFFFFFFD0]  }
0x38: {  	v1 =	vadd.f32 v4, v1;
	v4 =	vld [tilespmem:s30+$0xFFFFFFE0]  }
0x39: {  	v2 =	vadd.f32 v5, v2;
	v5 =	vld [tilespmem:s30+$0xFFFFFFF0]  }
0x3a: {  	v1 =	vadd.f32 v6, v1;
	v6 =	vld [tilespmem:s30+$0x0]  }
0x3b: {  	v2 =	vadd.f32 v7, v2;
	v7 =	vld [tilespmem:s30+$0x10]  }
0x3c: {  	v1 =	vadd.f32 v3, v1;
	v3 =	vld [tilespmem:s30+$0x20]  }
0x3d: {  	v2 =	vadd.f32 v4, v2;
	v4 =	vld [tilespmem:s30+$0x30]  }
0x3e: {  	v1 =	vadd.f32 v5, v1;
	v5 =	vld [tilespmem:s30+$0x40]  }
0x3f: {  	v2 =	vadd.f32 v6, v2;
	v6 =	vld [tilespmem:s30+$0x50]  }
0x40: {  	v1 =	vadd.f32 v7, v1;
	v7 =	vld [tilespmem:s30+$0x60]  }
0x41: {  	v2 =	vadd.f32 v3, v2;
	v3 =	vld [tilespmem:s30+$0x70]  }
0x42: {  	v1 =	vadd.f32 v4, v1;
	v4 =	vld [tilespmem:s30+$0x80]  }
0x43: {  	v2 =	vadd.f32 v5, v2;
	v5 =	vld [tilespmem:s30+$0x90]  }
0x44: {  	v1 =	vadd.f32 v6, v1;
	v6 =	vld [tilespmem:s30+$0xA0]  }
0x45: {  	v2 =	vadd.f32 v7, v2;
	v7 =	vld [tilespmem:s30+$0xB0]  }
0x46: {  	v1 =	vadd.f32 v3, v1;
	v3 =	vld [tilespmem:s30+$0xC0]  }
0x47: {  	v2 =	vadd.f32 v4, v2;
	v4 =	vld [tilespmem:s30+$0xD0]  }
0x48: {  	v1 =	vadd.f32 v5, v1;
	v5 =	vld [tilespmem:s30+$0xE0]  }
0x49: {  	v2 =	vadd.f32 v6, v2;
	v6 =	vld [tilespmem:s30+$0xF0]  }
0x4a: {  	v1 =	vadd.f32 v7, v1;
	v7 =	vld [tilespmem:s30+$0x100]  }
0x4b: {  	v2 =	vadd.f32 v3, v2;
	v3 =	vld [tilespmem:s30+$0x110]  }
0x4c: {  	v1 =	vadd.f32 v4, v1;
	v4 =	vld [tilespmem:s30+$0x120]  }
0x4d: {  	v2 =	vadd.f32 v5, v2;
	v5 =	vld [tilespmem:s30+$0x130]  }
0x4e: {  	v1 =	vadd.f32 v6, v1  }
0x4f: {  	v2 =	vadd.f32 v7, v2  }
0x50: {  	v1 =	vadd.f32 v3, v1  }
0x51: {  	v2 =	vadd.f32 v4, v2  }
0x52: {  	s14 =	sshra.s32 s31, $0x2;
	s31 =	smov.u32 s0;
	v1 =	vadd.f32 v5, v1  }
0x53: {  	[tilespmem:v0+s14+$0xFFFFFFF0 ss:$0x1] =	vst.idx.msk $0xffff, v2  }
.Ltmp0:
0x54: {  	s30 =	sadd.s32 $0x280, s30;
	[tilespmem:v0+s14+$0x0 ss:$0x1] =	vst.idx.msk $0xffff, v1;
	(pc) =	sbr.rel @p0 .LBB2_3-.Ltmp0, $4  }
0x55: {  	v1 =	vld [tilespmem:s30+$0xFFFFFEF0]  }
0x56: {  	v2 =	vld [tilespmem:s30+$0xFFFFFEE0]  }
0x57: {  	v3 =	vld [tilespmem:s30+$0xFFFFFEC0]  }
0x58: {  	s0 =	sadd.s32 $0x680, s0;
	v4 =	vld [tilespmem:s30+$0xFFFFFED0]  }
0x59: {  	v5 =	vld [tilespmem:s30+$0xFFFFFF00]  }
0x5a: {  	v6 =	vld [tilespmem:s30+$0xFFFFFF10]  }
0x5b: {  	v7 =	vld [tilespmem:s30+$0xFFFFFF20]  }
0x5c: {  	v2 =	vadd.f32 v2, v3;
	v3 =	vld [tilespmem:s30+$0xFFFFFF30]  }
0x5d: {  	v1 =	vadd.f32 v1, v4;
	v4 =	vld [tilespmem:s30+$0xFFFFFF40]  }
0x5e: {  	v2 =	vadd.f32 v5, v2;
	v5 =	vld [tilespmem:s30+$0xFFFFFF50]  }
0x5f: {  	v1 =	vadd.f32 v6, v1;
	v6 =	vld [tilespmem:s30+$0xFFFFFF60]  }
0x60: {  	v2 =	vadd.f32 v7, v2;
	v7 =	vld [tilespmem:s30+$0xFFFFFF70]  }
0x61: {  	v1 =	vadd.f32 v3, v1;
	v3 =	vld [tilespmem:s30+$0xFFFFFF80]  }
0x62: {  	v2 =	vadd.f32 v4, v2;
	v4 =	vld [tilespmem:s30+$0xFFFFFF90]  }
0x63: {  	v1 =	vadd.f32 v5, v1;
	v5 =	vld [tilespmem:s30+$0xFFFFFFA0]  }
0x64: {  	v2 =	vadd.f32 v6, v2;
	v6 =	vld [tilespmem:s30+$0xFFFFFFB0]  }
0x65: {  	v1 =	vadd.f32 v7, v1;
	v7 =	vld [tilespmem:s30+$0xFFFFFFC0]  }
0x66: {  	v2 =	vadd.f32 v3, v2;
	v3 =	vld [tilespmem:s30+$0xFFFFFFD0]  }
0x67: {  	v1 =	vadd.f32 v4, v1;
	v4 =	vld [tilespmem:s30+$0xFFFFFFE0]  }
0x68: {  	v2 =	vadd.f32 v5, v2;
	v5 =	vld [tilespmem:s30+$0xFFFFFFF0]  }
0x69: {  	v1 =	vadd.f32 v6, v1;
	v6 =	vld [tilespmem:s30+$0x0]  }
0x6a: {  	v2 =	vadd.f32 v7, v2;
	v7 =	vld [tilespmem:s30+$0x10]  }
0x6b: {  	v1 =	vadd.f32 v3, v1;
	v3 =	vld [tilespmem:s30+$0x20]  }
0x6c: {  	v2 =	vadd.f32 v4, v2;
	v4 =	vld [tilespmem:s30+$0x30]  }
0x6d: {  	v1 =	vadd.f32 v5, v1;
	v5 =	vld [tilespmem:s30+$0x40]  }
0x6e: {  	v2 =	vadd.f32 v6, v2;
	v6 =	vld [tilespmem:s30+$0x50]  }
0x6f: {  	v1 =	vadd.f32 v7, v1;
	v7 =	vld [tilespmem:s30+$0x60]  }
0x70: {  	v2 =	vadd.f32 v3, v2;
	v3 =	vld [tilespmem:s30+$0x70]  }
0x71: {  	v1 =	vadd.f32 v4, v1;
	v4 =	vld [tilespmem:s30+$0x80]  }
0x72: {  	v2 =	vadd.f32 v5, v2;
	v5 =	vld [tilespmem:s30+$0x90]  }
0x73: {  	v1 =	vadd.f32 v6, v1;
	v6 =	vld [tilespmem:s30+$0xA0]  }
0x74: {  	v2 =	vadd.f32 v7, v2;
	v7 =	vld [tilespmem:s30+$0xB0]  }
0x75: {  	v1 =	vadd.f32 v3, v1;
	v3 =	vld [tilespmem:s30+$0xC0]  }
0x76: {  	v2 =	vadd.f32 v4, v2;
	v4 =	vld [tilespmem:s30+$0xD0]  }
0x77: {  	v1 =	vadd.f32 v5, v1;
	v5 =	vld [tilespmem:s30+$0xE0]  }
0x78: {  	v2 =	vadd.f32 v6, v2;
	v6 =	vld [tilespmem:s30+$0xF0]  }
0x79: {  	v1 =	vadd.f32 v7, v1;
	v7 =	vld [tilespmem:s30+$0x100]  }
0x7a: {  	v2 =	vadd.f32 v3, v2;
	v3 =	vld [tilespmem:s30+$0x110]  }
0x7b: {  	v1 =	vadd.f32 v4, v1;
	v4 =	vld [tilespmem:s30+$0x120]  }
0x7c: {  	s0 =	sand.u32 $0xFF, s2;
	v2 =	vadd.f32 v5, v2;
	v5 =	vld [tilespmem:s30+$0x130]  }
0x7d: {  	p1 =	sne.s32 s0, $0xC;
	v1 =	vadd.f32 v6, v1  }
0x7e: {  	s0 =	sshll.u32 @!p1 s29, $0x5;
	v2 =	vadd.f32 v7, v2  }
0x7f: {  	s0 =	sand.u32 @!p1 $0xE0, s0;
	v1 =	vadd.f32 v3, v1  }
0x80: {  	s0 =	sadd.s32 @!p1 s0, s9;
	v2 =	vadd.f32 v4, v2  }
0x81: {  	s31 =	sshra.s32 s31, $0x2;
	s0 =	smul.u32 @!p1 $0x34, s0;
	v1 =	vadd.f32 v5, v1  }
0x82: {  	p0 =	sne.s32 s22, $0x19;
	s2 =	simm.s32 @!p1 $0x0;
	[tilespmem:v0+s31+$0xFFFFFFF0 ss:$0x1] =	vst.idx.msk $0xffff, v2  }
0x83: {  	s14 =	simm.s32 @!p1 $0xA500;
	s29 =	smulhi.u32 @p0 $0x4EC4EC4F, s26;
	s0 =	sadd.s32 @!p1 s3, s0;
	[tilespmem:v0+s31+$0x0 ss:$0x1] =	vst.idx.msk $0xffff, v1  }
0x84: {  	[hbm4b:s0+s2] =	stream.linear.scatter @!p1 [tilespmem:s14], [sflag:$0x5], $0x3400, $0x38;
	[tilespmem:$0xD900] =	vst v63  }
0x85: {  	s0 =	simm.s32 @!p1 $0x5;
	s2 =	sshrl.u32 @p0 s29, $0x2  }
0x86: {  	s14 =	sadd.s32 @p0 $0x3, s25;
	_ =	swait.ge @!p1 [sflag:s0], $0x3400;
	s2 =	smul.u32 @p0 $0xD, s2  }
0x87: {  	s29 =	simm.s32 @p0 $0x500;
	s25 =	smulhi.u32 @p0 $0x4EC4EC4F, s14;
	[sflag:s0] =	ssyncset.done @!p1 $0x0  }
0x88: {  	[sflag:s0] =	ssyncadd.s32 @!p1 $0xFFFFCC00;
	s0 =	simm.s32 @p0 $0x3;
	s2 =	ssub.s32 @p0 s26, s2  }
0x89: {  	s25 =	sshrl.u32 @p0 s25, $0x2;
	_ =	swait.ge @p0 [sflag:s0], $0x280;
	s2 =	smul.u32 @p0 $0x61A80, s2  }
0x8a: {  	s26 =	simm.s32 @p0 $0x0;
	s30 =	smul.u32 @p0 $0xD, s25;
	[sflag:s0] =	ssyncset.done @p0 $0x0  }
0x8b: {  	[sflag:s0] =	ssyncadd.s32 @p0 $0xFFFFFD80;
	s0 =	sadd.s32 @p0 s6, s2;
	s2 =	simm.s32 @p0 $0x280  }
0x8c: {  	[tilespmem:s29], [sflag:$0x1] =	stream.indirect.gather @p0 [hbm4b:s0+s2], $0x20, s26, s2, $0xb8;
	[tilespmem:$0xD900] =	vst v63  }
0x8d: {  	s0 =	ssub.s32 @p0 s14, s30  }
0x8e: {  	s0 =	smul.u32 @p0 $0x14000, s0  }
0x8f: {  	s14 =	smul.u32 @p0 $0x280, s25  }
0x90: {  	s25 =	simm.s32 @p0 $0x2;
	s0 =	sadd.s32 @p0 s5, s0  }
0x91: {  	_ =	swait.ge @p0 [sflag:s25], $0x5000;
	s0 =	sadd.s32 @p0 s14, s0  }
0x92: {  	[sflag:s25] =	ssyncset.done @p0 $0x0;
	s0 =	sshrl.u32 @p0 s0, $0x3  }
0x93: {  	[sflag:s25] =	ssyncadd.s32 @p0 $0xFFFFB000;
	s0 =	sadd.s32 @p0 s1, s0  }
0x94: {  	[tilespmem:s2], [sflag:$0x3] =	stream.linear.gather @p0 [hbm4b:s0+s26], $0x280, $0x38;
	[tilespmem:$0xD900] =	vst v63  }
0x95: {  	s0 =	simm.s32 @!p0 $0x2  }
0x96: {  	_ =	swait.ge @!p0 [sflag:s0], $0x5000  }
0x97: {  	[sflag:s0] =	ssyncset.done @!p0 $0x0  }
0x98: {  	s26 =	simm.s32 $0x5640;
	[sflag:s0] =	ssyncadd.s32 @!p0 $0xFFFFB000  }
0x99: {  	v1 =	vld [tilespmem:s26+$0xFFFFFEF0]  }
0x9a: {  	v2 =	vld [tilespmem:s26+$0xFFFFFEE0]  }
0x9b: {  	v3 =	vld [tilespmem:s26+$0xFFFFFEC0]  }
0x9c: {  	v0 =	vmov s28;
	s25 =	simm.s32 $0x0;
	s0 =	simm.s32 $0x680;
	v4 =	vld [tilespmem:s26+$0xFFFFFED0]  }
.LBB2_5:
0x9d: {  	p0 =	sne.s32 s0, $0xC980;
	v5 =	vld [tilespmem:s26+$0xFFFFFF00]  }
0x9e: {  	v6 =	vld [tilespmem:s26+$0xFFFFFF10]  }
0x9f: {  	v7 =	vld [tilespmem:s26+$0xFFFFFF20]  }
0xa0: {  	v2 =	vadd.f32 v2, v3;
	v3 =	vld [tilespmem:s26+$0xFFFFFF30]  }
0xa1: {  	v1 =	vadd.f32 v1, v4;
	v4 =	vld [tilespmem:s26+$0xFFFFFF40]  }
0xa2: {  	v2 =	vadd.f32 v5, v2;
	v5 =	vld [tilespmem:s26+$0xFFFFFF50]  }
0xa3: {  	v1 =	vadd.f32 v6, v1;
	v6 =	vld [tilespmem:s26+$0xFFFFFF60]  }
0xa4: {  	v2 =	vadd.f32 v7, v2;
	v7 =	vld [tilespmem:s26+$0xFFFFFF70]  }
0xa5: {  	v1 =	vadd.f32 v3, v1;
	v3 =	vld [tilespmem:s26+$0xFFFFFF80]  }
0xa6: {  	v2 =	vadd.f32 v4, v2;
	v4 =	vld [tilespmem:s26+$0xFFFFFF90]  }
0xa7: {  	v1 =	vadd.f32 v5, v1;
	v5 =	vld [tilespmem:s26+$0xFFFFFFA0]  }
0xa8: {  	v2 =	vadd.f32 v6, v2;
	v6 =	vld [tilespmem:s26+$0xFFFFFFB0]  }
0xa9: {  	v1 =	vadd.f32 v7, v1;
	v7 =	vld [tilespmem:s26+$0xFFFFFFC0]  }
0xaa: {  	v2 =	vadd.f32 v3, v2;
	v3 =	vld [tilespmem:s26+$0xFFFFFFD0]  }
0xab: {  	v1 =	vadd.f32 v4, v1;
	v4 =	vld [tilespmem:s26+$0xFFFFFFE0]  }
0xac: {  	v2 =	vadd.f32 v5, v2;
	v5 =	vld [tilespmem:s26+$0xFFFFFFF0]  }
0xad: {  	v1 =	vadd.f32 v6, v1;
	v6 =	vld [tilespmem:s26+$0x0]  }
0xae: {  	v2 =	vadd.f32 v7, v2;
	v7 =	vld [tilespmem:s26+$0x10]  }
0xaf: {  	v1 =	vadd.f32 v3, v1;
	v3 =	vld [tilespmem:s26+$0x20]  }
0xb0: {  	v2 =	vadd.f32 v4, v2;
	v4 =	vld [tilespmem:s26+$0x30]  }
0xb1: {  	v1 =	vadd.f32 v5, v1;
	v5 =	vld [tilespmem:s26+$0x40]  }
0xb2: {  	v2 =	vadd.f32 v6, v2;
	v6 =	vld [tilespmem:s26+$0x50]  }
0xb3: {  	v1 =	vadd.f32 v7, v1;
	v7 =	vld [tilespmem:s26+$0x60]  }
0xb4: {  	v2 =	vadd.f32 v3, v2;
	v3 =	vld [tilespmem:s26+$0x70]  }
0xb5: {  	v1 =	vadd.f32 v4, v1;
	v4 =	vld [tilespmem:s26+$0x80]  }
0xb6: {  	v2 =	vadd.f32 v5, v2;
	v5 =	vld [tilespmem:s26+$0x90]  }
0xb7: {  	v1 =	vadd.f32 v6, v1;
	v6 =	vld [tilespmem:s26+$0xA0]  }
0xb8: {  	v2 =	vadd.f32 v7, v2;
	v7 =	vld [tilespmem:s26+$0xB0]  }
0xb9: {  	v1 =	vadd.f32 v3, v1;
	v3 =	vld [tilespmem:s26+$0xC0]  }
0xba: {  	v2 =	vadd.f32 v4, v2;
	v4 =	vld [tilespmem:s26+$0xD0]  }
0xbb: {  	v1 =	vadd.f32 v5, v1;
	v5 =	vld [tilespmem:s26+$0xE0]  }
0xbc: {  	v2 =	vadd.f32 v6, v2;
	v6 =	vld [tilespmem:s26+$0xF0]  }
0xbd: {  	v1 =	vadd.f32 v7, v1;
	v7 =	vld [tilespmem:s26+$0x100]  }
0xbe: {  	v2 =	vadd.f32 v3, v2;
	v3 =	vld [tilespmem:s26+$0x110]  }
0xbf: {  	v1 =	vadd.f32 v4, v1;
	v4 =	vld [tilespmem:s26+$0x120]  }
0xc0: {  	v2 =	vadd.f32 v5, v2;
	v5 =	vld [tilespmem:s26+$0x130]  }
0xc1: {  	v1 =	vadd.f32 v6, v1  }
0xc2: {  	v2 =	vadd.f32 v7, v2  }
0xc3: {  	v1 =	vadd.f32 v3, v1  }
0xc4: {  	v2 =	vadd.f32 v4, v2  }
0xc5: {  	s2 =	sshra.s32 s25, $0x2;
	s25 =	smov.u32 s0;
	v1 =	vadd.f32 v5, v1  }
0xc6: {  	[tilespmem:v0+s2+$0x20 ss:$0x1] =	vst.idx.msk $0xffff, v2  }
.Ltmp1:
0xc7: {  	s26 =	sadd.s32 $0x280, s26;
	[tilespmem:v0+s2+$0x30 ss:$0x1] =	vst.idx.msk $0xffff, v1;
	(pc) =	sbr.rel @p0 .LBB2_5-.Ltmp1, $4  }
0xc8: {  	v1 =	vld [tilespmem:s26+$0xFFFFFEF0]  }
0xc9: {  	v2 =	vld [tilespmem:s26+$0xFFFFFEE0]  }
0xca: {  	v3 =	vld [tilespmem:s26+$0xFFFFFEC0]  }
0xcb: {  	s0 =	sadd.s32 $0x680, s0;
	v4 =	vld [tilespmem:s26+$0xFFFFFED0]  }
0xcc: {  	v5 =	vld [tilespmem:s26+$0xFFFFFF00]  }
0xcd: {  	v6 =	vld [tilespmem:s26+$0xFFFFFF10]  }
0xce: {  	v7 =	vld [tilespmem:s26+$0xFFFFFF20]  }
0xcf: {  	v31 =	vld [tilespmem:s26+$0xFFFFFF30];
	v2 =	vadd.f32 v2, v3  }
0xd0: {  	v32 =	vld [tilespmem:s26+$0xFFFFFF40];
	v1 =	vadd.f32 v1, v4  }
0xd1: {  	v33 =	vld [tilespmem:s26+$0xFFFFFF50];
	v2 =	vadd.f32 v5, v2  }
0xd2: {  	v34 =	vld [tilespmem:s26+$0xFFFFFF60];
	v1 =	vadd.f32 v6, v1  }
0xd3: {  	v35 =	vld [tilespmem:s26+$0xFFFFFF70];
	v2 =	vadd.f32 v7, v2  }
0xd4: {  	v36 =	vld [tilespmem:s26+$0xFFFFFF80];
	v1 =	vadd.f32 v31, v1  }
0xd5: {  	v37 =	vld [tilespmem:s26+$0xFFFFFF90];
	v2 =	vadd.f32 v32, v2  }
0xd6: {  	v38 =	vld [tilespmem:s26+$0xFFFFFFA0];
	v1 =	vadd.f32 v33, v1  }
0xd7: {  	v39 =	vld [tilespmem:s26+$0xFFFFFFB0];
	v2 =	vadd.f32 v34, v2  }
0xd8: {  	v40 =	vld [tilespmem:s26+$0xFFFFFFC0];
	v1 =	vadd.f32 v35, v1  }
0xd9: {  	v41 =	vld [tilespmem:s26+$0xFFFFFFD0];
	v2 =	vadd.f32 v36, v2  }
0xda: {  	v42 =	vld [tilespmem:s26+$0xFFFFFFE0];
	v1 =	vadd.f32 v37, v1  }
0xdb: {  	v43 =	vld [tilespmem:s26+$0xFFFFFFF0];
	v2 =	vadd.f32 v38, v2  }
0xdc: {  	v44 =	vld [tilespmem:s26+$0x0];
	v1 =	vadd.f32 v39, v1  }
0xdd: {  	v45 =	vld [tilespmem:s26+$0x10];
	v2 =	vadd.f32 v40, v2  }
0xde: {  	v46 =	vld [tilespmem:s26+$0x20];
	v1 =	vadd.f32 v41, v1  }
0xdf: {  	v47 =	vld [tilespmem:s26+$0x30];
	v2 =	vadd.f32 v42, v2  }
0xe0: {  	v48 =	vld [tilespmem:s26+$0x40];
	v1 =	vadd.f32 v43, v1  }
0xe1: {  	v49 =	vld [tilespmem:s26+$0x50];
	v2 =	vadd.f32 v44, v2  }
0xe2: {  	v50 =	vld [tilespmem:s26+$0x60];
	v1 =	vadd.f32 v45, v1  }
0xe3: {  	v51 =	vld [tilespmem:s26+$0x70];
	v2 =	vadd.f32 v46, v2  }
0xe4: {  	v52 =	vld [tilespmem:s26+$0x80];
	v1 =	vadd.f32 v47, v1  }
0xe5: {  	v53 =	vld [tilespmem:s26+$0x90];
	v2 =	vadd.f32 v48, v2  }
0xe6: {  	v54 =	vld [tilespmem:s26+$0xA0];
	v1 =	vadd.f32 v49, v1  }
0xe7: {  	v55 =	vld [tilespmem:s26+$0xB0];
	v2 =	vadd.f32 v50, v2  }
0xe8: {  	v56 =	vld [tilespmem:s26+$0xC0];
	v1 =	vadd.f32 v51, v1  }
0xe9: {  	v57 =	vld [tilespmem:s26+$0xD0];
	v2 =	vadd.f32 v52, v2  }
0xea: {  	v58 =	vld [tilespmem:s26+$0xE0];
	v1 =	vadd.f32 v53, v1  }
0xeb: {  	v59 =	vld [tilespmem:s26+$0xF0];
	v2 =	vadd.f32 v54, v2  }
0xec: {  	v60 =	vld [tilespmem:s26+$0x100];
	v1 =	vadd.f32 v55, v1  }
0xed: {  	v61 =	vld [tilespmem:s26+$0x110];
	v2 =	vadd.f32 v56, v2  }
0xee: {  	v62 =	vld [tilespmem:s26+$0x120];
	v1 =	vadd.f32 v57, v1  }
0xef: {  	v63 =	vld [tilespmem:s26+$0x130];
	v2 =	vadd.f32 v58, v2  }
0xf0: {  	p0 =	sne.s32 s24, $0xC;
	v1 =	vadd.f32 v59, v1  }
0xf1: {  	s0 =	smulhi.u32 @!p0 $0x4EC4EC4F, s23;
	v2 =	vadd.f32 v60, v2  }
0xf2: {  	v1 =	vadd.f32 v61, v1  }
0xf3: {  	s0 =	sshrl.u32 @!p0 s0, $0x2;
	v2 =	vadd.f32 v62, v2  }
0xf4: {  	s2 =	sshra.s32 s25, $0x2;
	s0 =	smul.u32 @!p0 $0x680, s0;
	v1 =	vadd.f32 v63, v1  }
0xf5: {  	[tilespmem:v0+s2+$0x20 ss:$0x1] =	vst.idx.msk $0xffff, v2  }
0xf6: {  	s14 =	simm.s32 @!p0 $0xA500;
	s0 =	sadd.s32 @!p0 s10, s0;
	[tilespmem:v0+s2+$0x30 ss:$0x1] =	vst.idx.msk $0xffff, v1;
	s2 =	simm.s32 @!p0 $0x0  }
0xf7: {  	[hbm4b:s0+s2] =	stream.linear.scatter @!p0 [tilespmem:s14], [sflag:$0x4], $0x3400, $0x38;
	[tilespmem:$0xD900] =	vst v63  }
0xf8: {  	s0 =	simm.s32 @!p0 $0x4  }
0xf9: {  	_ =	swait.ge @!p0 [sflag:s0], $0x3400  }
0xfa: {  	s22 =	sadd.s32 $0x1, s22;
	[sflag:s0] =	ssyncset.done @!p0 $0x0  }
0xfb: {  	[sflag:s0] =	ssyncadd.s32 @!p0 $0xFFFFCC00;
	p0 =	sne.s32 s22, $0x1A  }
.Ltmp2:
0xfc: {  	_ = 	snop;
	(pc) =	sbr.rel @p0 .LBB2_2-.Ltmp2, $2  }
0xfd: {  	_ =	sdelay $0x2  }
0xfe: {  	s19 =	sadd.s32 $0x40, s19;
	s21 =	sadd.s32 $0x2, s21;
	s20 =	sadd.s32 $0x2, s20  }
0xff: {  	s18 =	sadd.s32 $0x1, s18  }
0x100: {  	p0 =	sne.s32 s18, s11  }
.Ltmp3:
0x101: {  	_ = 	snop;
	(pc) =	sbr.rel @p0 .LBB2_1-.Ltmp3, $1  }
0x102: {  	_ =	sdelay $0x3  }
0x103: {  	_ =	sfence.sel $0x180000  }
0x104: {  	[bflag:$0x0] =	sbarrier.arrive $0xFFFF  }
0x105: {  	_ =	strace $0x90000047  }
0x106: {  	s0 =	stileid.u32;
	[bflag:$0x2] =	sbarrier.arrive $0xFFFF  }
0x107: {  	p0 =	sne.s32 s0, $0x0;
	s0 =	rddreg [dreg:$0x3]  }
0x108: {  	s0 =	sadd.s32 @!p0 $0x100000, s0  }
0x109: {  	[sflag:s0] =	ssyncadd.tile.s32 @!p0 $0x1;
	_ =	shalt  }
.Lfunc_end2:
_tile_overlayer_lowered:
.L_overlay_start_2:
0x10a: {  	(tag) =	ssettag $0x2  }
0x10b: {  	s0 =	rddreg [dreg:$0x0];
	s2 =	stileid.u32  }
0x10c: {  	s1 =	rddreg [dreg:$0x1];
	p0 =	sne.s32 s2, $0x0  }
0x10d: {  	s3 =	rddreg [dreg:$0x2];
	[bflag:$0x3] =	sbarrier.arrive $0xFFFF;
	s2 =	simm.s32 @!p0 $0x1C04  }
0x10e: {  	[timem:s3], [sflag:s2] =	dma.local @!p0 [hbm:s0], s1  }
0x10f: {  	s0 =	simm.s32 @!p0 $0x4  }
0x110: {  	_ =	swait.ge @!p0 [sflag:s0], s1  }
0x111: {  	s1 =	ssub.s32 @!p0 $0x0, s1;
	[sflag:s0] =	ssyncset.done @!p0 $0x0  }
0x112: {  	[sflag:s0] =	ssyncadd.s32 @!p0 s1  }
0x113: {  	[bflag:$0x3] =	sbarrier.arrive $0xFFFF  }
0x114: {  	_ =	shalt  }

</sc_bundles>
